<compile_context>
chip_gen: v7x
topology: tpu7x:2x2x1
jax: 0.10.2.dev20260603
libtpu: 0.0.44.dev20260713+nightly
codegen_flags: <defaults>
</compile_context>

<pallas_src>
import functools

import jax
import jax.numpy as jnp
from jax import lax
from jax.experimental import pallas as pl
from jax.experimental.pallas import tpu as pltpu
from jax.experimental.pallas import tpu_sc as plsc

NE = 64
DM = 768
FF = 3072
NTOK = 2048
CAP = NTOK // NE

_HI = lax.Precision.HIGHEST


def _router_body(xf_ref, ws_ref, bs_ref, gidx_ref, src_ref, packed_ref):
    xf = xf_ref[...]
    ws = ws_ref[...]
    logits = jnp.dot(xf.astype(jnp.bfloat16), ws.astype(jnp.bfloat16),
                     preferred_element_type=jnp.float32) + bs_ref[...]
    m = jnp.max(logits, axis=1, keepdims=True)
    e_iota = lax.broadcasted_iota(jnp.int32, (NTOK, NE), 1)
    routes = jnp.min(jnp.where(logits == m, e_iota, NE), axis=1, keepdims=True)
    onehot = (e_iota == routes).astype(jnp.int32)
    c = onehot
    s = 1
    while s < NTOK:
        shifted = jnp.concatenate(
            [jnp.zeros((s, NE), jnp.int32), c[: NTOK - s, :]], axis=0)
        c = c + shifted
        s *= 2
    pos = jnp.sum(onehot * c, axis=1, keepdims=True) - 1
    kept = pos < CAP

    ohf = onehot.astype(jnp.float32)
    c_iota = lax.broadcasted_iota(jnp.int32, (NTOK, CAP), 1)
    pmask = (c_iota == pos).astype(jnp.float32)
    ids1 = (lax.broadcasted_iota(jnp.int32, (NTOK, CAP), 0) + 1
            ).astype(jnp.float32)
    dn = (((0,), (0,)), ((), ()))
    gsum = lax.dot_general(ohf, pmask * ids1, dn, precision=_HI)
    gsum_i = gsum.astype(jnp.int32)
    slot_iota = lax.broadcasted_iota(jnp.int32, (NE, CAP), 0) * CAP + \
        lax.broadcasted_iota(jnp.int32, (NE, CAP), 1)
    gidx_ref[...] = jnp.where(gsum_i > 0, gsum_i - 1, slot_iota)

    tok = lax.broadcasted_iota(jnp.int32, (NTOK, 1), 0)
    src_kept = routes * (2 * CAP) + pos
    src_drop = (tok // CAP) * (2 * CAP) + CAP + (tok % CAP)
    src_ref[...] = jnp.where(kept, src_kept, src_drop)

    u = lax.bitcast_convert_type(xf, jnp.int32)
    r = jnp.right_shift(
        u + 0x7FFF + jnp.bitwise_and(jnp.right_shift(u, 16), 1), 16)
    lo = jnp.bitwise_and(r[:, : DM // 2], 0xFFFF)
    hi = jnp.left_shift(r[:, DM // 2:], 16)
    packed_ref[...] = jnp.bitwise_or(hi, lo)


def _ffn_body(xe_ref, w1_ref, b1_ref, w2_ref, b2_ref, xf_ref, out_ref):
    f = pl.program_id(1)
    p = xe_ref[...]
    xlo = lax.bitcast_convert_type(
        jnp.left_shift(p, 16), jnp.float32).astype(jnp.bfloat16)
    xhi = lax.bitcast_convert_type(
        jnp.bitwise_and(p, jnp.int32(-65536)), jnp.float32).astype(jnp.bfloat16)
    w1 = w1_ref[0].astype(jnp.bfloat16)
    h = (jnp.dot(xlo, w1[: DM // 2], preferred_element_type=jnp.float32)
         + jnp.dot(xhi, w1[DM // 2:], preferred_element_type=jnp.float32)
         + b1_ref[0])
    h = h * 0.5 * (1.0 + lax.erf(h / 1.41421))
    w2 = w2_ref[0].astype(jnp.bfloat16)
    o = jnp.dot(h.astype(jnp.bfloat16), w2,
                preferred_element_type=jnp.float32)

    @pl.when(f == 0)
    def _():
        out_ref[0:CAP, :] = o + b2_ref[0]
        out_ref[CAP:2 * CAP, :] = xf_ref[...]

    @pl.when(f == 1)
    def _():
        out_ref[0:CAP, :] += o


_NW = 32
_RPW = NTOK // _NW


@functools.lru_cache(maxsize=None)
def _make_sc_row_gather(name, cols, dtype):
    mesh = plsc.VectorSubcoreMesh(core_axis_name="c", subcore_axis_name="s")

    @functools.partial(
        pl.kernel,
        mesh=mesh,
        out_type=jax.ShapeDtypeStruct((NTOK, cols), dtype),
        scratch_types=[
            pltpu.VMEM((_RPW,), jnp.int32),
            pltpu.VMEM((_RPW, cols), dtype),
            pltpu.SemaphoreType.DMA,
        ],
        name=name,
    )
    def sc_row_gather(table_hbm, idx_hbm, out_hbm, idx_v, rows_v, sem):
        wid = lax.axis_index("s") * 2 + lax.axis_index("c")
        base = wid * _RPW
        pltpu.sync_copy(idx_hbm.at[pl.ds(base, _RPW)], idx_v)
        pltpu.async_copy(table_hbm.at[idx_v], rows_v, sem).wait()
        pltpu.sync_copy(rows_v, out_hbm.at[pl.ds(base, _RPW)])

    return sc_row_gather


def kernel(x, W_switch, b_switch, W1, b1, W2, b2):
    B, S, Dm = x.shape
    xf = x.reshape(NTOK, DM)

    gidx, src, packed = pl.pallas_call(
        _router_body,
        out_shape=(
            jax.ShapeDtypeStruct((NE, CAP), jnp.int32),
            jax.ShapeDtypeStruct((NTOK, 1), jnp.int32),
            jax.ShapeDtypeStruct((NTOK, DM // 2), jnp.int32),
        ),
        name="tc_router",
    )(xf, W_switch, b_switch.reshape(1, NE))

    xe = _make_sc_row_gather("sc_dispatch", DM // 2, jnp.int32)(
        packed, gidx.reshape(NTOK))

    big = pl.pallas_call(
        _ffn_body,
        grid=(NE, 2),
        in_specs=[
            pl.BlockSpec((CAP, DM // 2), lambda e, f: (e, 0)),
            pl.BlockSpec((1, DM, FF // 2), lambda e, f: (e, 0, f)),
            pl.BlockSpec((1, 1, FF // 2), lambda e, f: (e, 0, f)),
            pl.BlockSpec((1, FF // 2, DM), lambda e, f: (e, f, 0)),
            pl.BlockSpec((1, 1, DM), lambda e, f: (e, 0, 0)),
            pl.BlockSpec((CAP, DM), lambda e, f: (e, 0)),
        ],
        out_specs=pl.BlockSpec((2 * CAP, DM), lambda e, f: (e, 0)),
        out_shape=jax.ShapeDtypeStruct((2 * NTOK, DM), jnp.float32),
        compiler_params=pltpu.CompilerParams(
            dimension_semantics=("arbitrary", "arbitrary"),
        ),
        name="tc_expert_ffn",
    )(xe, W1, b1.reshape(NE, 1, FF), W2, b2.reshape(NE, 1, DM), xf)

    out = _make_sc_row_gather("sc_combine", DM, jnp.float32)(
        big, src.reshape(NTOK))
    return out.reshape(B, S, Dm)

# --- scband reference (transcript-rebuilt; emitter-appended) ---
"""Pipeline reference for scband-switch-feed-forward-32993938768510 (READ-ONLY COPY).

The authoritative reference and input builder live on the scoring server;
editing this copy changes nothing except your own understanding.
"""

import jax, jax.numpy as jnp
import numpy as np

E = 64
D = 768
F = 3072
CAPACITY_FACTOR = 1.0

def _gelu(x):
    return x * 0.5 * (1.0 + jax.lax.erf(x / 1.41421))

def setup_inputs(seed: int = 0) -> dict:
    key = jax.random.key(seed)
    ks = jax.random.split(key, 8)
    std = 0.02
    x = jax.random.normal(ks[0], (1, 2048, D), dtype=jnp.float32)
    W_switch = jax.random.normal(ks[1], (D, E), dtype=jnp.float32) * std
    b_switch = jnp.zeros((E,), dtype=jnp.float32)
    W1 = jax.random.normal(ks[2], (E, D, F), dtype=jnp.float32) * std
    b1 = jnp.zeros((E, F), dtype=jnp.float32)
    W2 = jax.random.normal(ks[3], (E, F, D), dtype=jnp.float32) * std
    b2 = jnp.zeros((E, D), dtype=jnp.float32)
    return {"x": x, "W_switch": W_switch, "b_switch": b_switch, "W1": W1, "b1": b1, "W2": W2, "b2": b2}

def reference(x, W_switch, b_switch, W1, b1, W2, b2):
    B, S, Dm = x.shape
    xf = x.reshape(-1, Dm)
    N = xf.shape[0]
    logits = xf @ W_switch + b_switch
    probs = jax.nn.softmax(logits, axis=-1)
    routes = jnp.argmax(probs, axis=-1)
    route_prob_max = jnp.max(probs, axis=-1)
    # is_scale_prob=False: factor = p / stop_grad(p) == 1 in value, grad flows
    factor = route_prob_max / jax.lax.stop_gradient(route_prob_max)
    xf = xf * factor[:, None]
    capacity = int(CAPACITY_FACTOR * N / E)
    onehot = jax.nn.one_hot(routes, E, dtype=jnp.int32)
    pos = jnp.take_along_axis(jnp.cumsum(onehot, axis=0), routes[:, None], axis=1)[:, 0] - 1
    kept = pos < capacity
    token_ids = jnp.arange(N, dtype=jnp.int32)
    slot = jnp.where(kept, pos, capacity)
    gather_idx = jnp.full((E, capacity), N, dtype=jnp.int32)
    gather_idx = gather_idx.at[routes, slot].set(token_ids, mode="drop")
    xf_pad = jnp.concatenate([xf, jnp.zeros((1, Dm), dtype=xf.dtype)], axis=0)
    xe = xf_pad[gather_idx]
    h = _gelu(jnp.einsum("ecd,edf->ecf", xe, W1) + b1[:, None, :])
    oe = jnp.einsum("ecf,efd->ecd", h, W2) + b2[:, None, :]
    oe_flat = oe.reshape(E * capacity, Dm)
    expert_out = oe_flat[routes * capacity + jnp.where(kept, pos, 0)]
    final = jnp.where(kept[:, None], expert_out, xf)
    return final.reshape(B, S, Dm)

if __name__ == "__main__":
    import jax
    _d = setup_inputs()
    print(jax.jit(kernel)(*tuple(_d.values())))

</pallas_src>

<mosaic_0001>
#map = affine_map<(d0, d1) -> (0, 0)>
#map1 = affine_map<(d0, d1) -> (0)>
module attributes {stable_mosaic.version = 14 : i64} {
  func.func @sc_dispatch(%arg0: i32, %arg1: i32, %arg2: memref<2048x384xi32, #tpu.memory_space<hbm>>, %arg3: memref<2048xi32, #tpu.memory_space<hbm>>, %arg4: memref<2048x384xi32, #tpu.memory_space<hbm>>, %arg5: memref<64xi32, #tpu.memory_space<vmem>>, %arg6: memref<64x384xi32, #tpu.memory_space<vmem>>, %arg7: memref<!tpu.dma_semaphore, #tpu.memory_space<semaphore_mem>>) attributes {dimension_semantics = [#tpu.dimension_semantics<core_parallel>, #tpu.dimension_semantics<subcore_parallel>], iteration_bounds = array<i64: 2, 16>, scalar_prefetch = 0 : i64, scratch_operands = 3 : i64, tpu.core_type = #tpu.core_type<sc_vector_subcore>, window_params = [{transform_indices = #map}, {transform_indices = #map1}, {transform_indices = #map}]} {
    %mul3A = arith.constant 2 : i32
    %mul3A_0 = arith.muli %arg1, %mul3A : i32
    %add3A = arith.addi %mul3A_0, %arg0 : i32
    %mul3A_1 = arith.constant 64 : i32
    %mul3A_2 = arith.muli %add3A, %mul3A_1 : i32
    "tpu.region"() ({
      %run_scoped3A = tpu.sem_alloc : memref<!tpu.dma_semaphore, #tpu.memory_space<semaphore_mem>>
      %dma_start3A_7 = tpu.memref_slice %arg3[%mul3A_2] : memref<2048xi32, #tpu.memory_space<hbm>> -> memref<64xi32, #tpu.memory_space<hbm>>
      %dma_start3A_8 = tpu.memref_slice %arg3[%mul3A_2] : memref<2048xi32, #tpu.memory_space<hbm>> -> memref<64xi32, #tpu.memory_space<hbm>>
      tpu.enqueue_dma source(%dma_start3A_8 : memref<64xi32, #tpu.memory_space<hbm>>) target(%arg5 : memref<64xi32, #tpu.memory_space<vmem>>) target_semaphore(%run_scoped3A : memref<!tpu.dma_semaphore, #tpu.memory_space<semaphore_mem>>)
      %dma_wait3A_9 = tpu.memref_slice %arg3[%mul3A_2] : memref<2048xi32, #tpu.memory_space<hbm>> -> memref<64xi32, #tpu.memory_space<hbm>>
      %dma_wait3A_10 = tpu.memref_slice %arg3[%mul3A_2] : memref<2048xi32, #tpu.memory_space<hbm>> -> memref<64xi32, #tpu.memory_space<hbm>>
      tpu.wait_dma2 semaphore(%run_scoped3A : memref<!tpu.dma_semaphore, #tpu.memory_space<semaphore_mem>>) src(%dma_wait3A_10 : memref<64xi32, #tpu.memory_space<hbm>>) dst(%arg5 : memref<64xi32, #tpu.memory_space<vmem>>)
      tpu.yield
    }) : () -> ()
    %dma_start3A = arith.constant 0 : i32
    %dma_start3A_3 = arith.constant 0 : i32
    %dma_start3A_4 = tpu.memref_slice %arg2[%dma_start3A, %dma_start3A_3] : memref<2048x384xi32, #tpu.memory_space<hbm>> -> memref<2048x384xi32, #tpu.memory_space<hbm>>
    tpu.enqueue_indirect_dma source(%dma_start3A_4 : memref<2048x384xi32, #tpu.memory_space<hbm>>) target(%arg6 : memref<64x384xi32, #tpu.memory_space<vmem>>) offsets(%arg5 : memref<64xi32, #tpu.memory_space<vmem>>) semaphore(%arg7 : memref<!tpu.dma_semaphore, #tpu.memory_space<semaphore_mem>>)
    %dma_wait3A = arith.constant 0 : i32
    %dma_wait3A_5 = arith.constant 0 : i32
    %dma_wait3A_6 = tpu.memref_slice %arg2[%dma_wait3A, %dma_wait3A_5] : memref<2048x384xi32, #tpu.memory_space<hbm>> -> memref<2048x384xi32, #tpu.memory_space<hbm>>
    tpu.wait_indirect_dma semaphore(%arg7 : memref<!tpu.dma_semaphore, #tpu.memory_space<semaphore_mem>>) src(%dma_wait3A_6 : memref<2048x384xi32, #tpu.memory_space<hbm>>) dst(%arg6 : memref<64x384xi32, #tpu.memory_space<vmem>>)
    "tpu.region"() ({
      %run_scoped3A = tpu.sem_alloc : memref<!tpu.dma_semaphore, #tpu.memory_space<semaphore_mem>>
      %dma_start3A_7 = arith.constant 0 : i32
      %dma_start3A_8 = tpu.memref_slice %arg4[%mul3A_2, %dma_start3A_7] : memref<2048x384xi32, #tpu.memory_space<hbm>> -> memref<64x384xi32, #tpu.memory_space<hbm>>
      %dma_start3A_9 = arith.constant 0 : i32
      %dma_start3A_10 = tpu.memref_slice %arg4[%mul3A_2, %dma_start3A_9] : memref<2048x384xi32, #tpu.memory_space<hbm>> -> memref<64x384xi32, #tpu.memory_space<hbm>>
      tpu.enqueue_dma source(%arg6 : memref<64x384xi32, #tpu.memory_space<vmem>>) target(%dma_start3A_10 : memref<64x384xi32, #tpu.memory_space<hbm>>) target_semaphore(%run_scoped3A : memref<!tpu.dma_semaphore, #tpu.memory_space<semaphore_mem>>)
      %dma_wait3A_11 = arith.constant 0 : i32
      %dma_wait3A_12 = tpu.memref_slice %arg4[%mul3A_2, %dma_wait3A_11] : memref<2048x384xi32, #tpu.memory_space<hbm>> -> memref<64x384xi32, #tpu.memory_space<hbm>>
      %dma_wait3A_13 = arith.constant 0 : i32
      %dma_wait3A_14 = tpu.memref_slice %arg4[%mul3A_2, %dma_wait3A_13] : memref<2048x384xi32, #tpu.memory_space<hbm>> -> memref<64x384xi32, #tpu.memory_space<hbm>>
      tpu.wait_dma2 semaphore(%run_scoped3A : memref<!tpu.dma_semaphore, #tpu.memory_space<semaphore_mem>>) src(%arg6 : memref<64x384xi32, #tpu.memory_space<vmem>>) dst(%dma_wait3A_14 : memref<64x384xi32, #tpu.memory_space<hbm>>)
      tpu.yield
    }) : () -> ()
    return
  }
}

#map = affine_map<(d0, d1) -> (0, 0)>
#map1 = affine_map<(d0, d1) -> (0)>
module attributes {stable_mosaic.version = 14 : i64} {
  func.func @sc_combine(%arg0: i32, %arg1: i32, %arg2: memref<4096x768xf32, #tpu.memory_space<hbm>>, %arg3: memref<2048xi32, #tpu.memory_space<hbm>>, %arg4: memref<2048x768xf32, #tpu.memory_space<hbm>>, %arg5: memref<64xi32, #tpu.memory_space<vmem>>, %arg6: memref<64x768xf32, #tpu.memory_space<vmem>>, %arg7: memref<!tpu.dma_semaphore, #tpu.memory_space<semaphore_mem>>) attributes {dimension_semantics = [#tpu.dimension_semantics<core_parallel>, #tpu.dimension_semantics<subcore_parallel>], iteration_bounds = array<i64: 2, 16>, scalar_prefetch = 0 : i64, scratch_operands = 3 : i64, tpu.core_type = #tpu.core_type<sc_vector_subcore>, window_params = [{transform_indices = #map}, {transform_indices = #map1}, {transform_indices = #map}]} {
    %mul3A = arith.constant 2 : i32
    %mul3A_0 = arith.muli %arg1, %mul3A : i32
    %add3A = arith.addi %mul3A_0, %arg0 : i32
    %mul3A_1 = arith.constant 64 : i32
    %mul3A_2 = arith.muli %add3A, %mul3A_1 : i32
    "tpu.region"() ({
      %run_scoped3A = tpu.sem_alloc : memref<!tpu.dma_semaphore, #tpu.memory_space<semaphore_mem>>
      %dma_start3A_7 = tpu.memref_slice %arg3[%mul3A_2] : memref<2048xi32, #tpu.memory_space<hbm>> -> memref<64xi32, #tpu.memory_space<hbm>>
      %dma_start3A_8 = tpu.memref_slice %arg3[%mul3A_2] : memref<2048xi32, #tpu.memory_space<hbm>> -> memref<64xi32, #tpu.memory_space<hbm>>
      tpu.enqueue_dma source(%dma_start3A_8 : memref<64xi32, #tpu.memory_space<hbm>>) target(%arg5 : memref<64xi32, #tpu.memory_space<vmem>>) target_semaphore(%run_scoped3A : memref<!tpu.dma_semaphore, #tpu.memory_space<semaphore_mem>>)
      %dma_wait3A_9 = tpu.memref_slice %arg3[%mul3A_2] : memref<2048xi32, #tpu.memory_space<hbm>> -> memref<64xi32, #tpu.memory_space<hbm>>
      %dma_wait3A_10 = tpu.memref_slice %arg3[%mul3A_2] : memref<2048xi32, #tpu.memory_space<hbm>> -> memref<64xi32, #tpu.memory_space<hbm>>
      tpu.wait_dma2 semaphore(%run_scoped3A : memref<!tpu.dma_semaphore, #tpu.memory_space<semaphore_mem>>) src(%dma_wait3A_10 : memref<64xi32, #tpu.memory_space<hbm>>) dst(%arg5 : memref<64xi32, #tpu.memory_space<vmem>>)
      tpu.yield
    }) : () -> ()
    %dma_start3A = arith.constant 0 : i32
    %dma_start3A_3 = arith.constant 0 : i32
    %dma_start3A_4 = tpu.memref_slice %arg2[%dma_start3A, %dma_start3A_3] : memref<4096x768xf32, #tpu.memory_space<hbm>> -> memref<4096x768xf32, #tpu.memory_space<hbm>>
    tpu.enqueue_indirect_dma source(%dma_start3A_4 : memref<4096x768xf32, #tpu.memory_space<hbm>>) target(%arg6 : memref<64x768xf32, #tpu.memory_space<vmem>>) offsets(%arg5 : memref<64xi32, #tpu.memory_space<vmem>>) semaphore(%arg7 : memref<!tpu.dma_semaphore, #tpu.memory_space<semaphore_mem>>)
    %dma_wait3A = arith.constant 0 : i32
    %dma_wait3A_5 = arith.constant 0 : i32
    %dma_wait3A_6 = tpu.memref_slice %arg2[%dma_wait3A, %dma_wait3A_5] : memref<4096x768xf32, #tpu.memory_space<hbm>> -> memref<4096x768xf32, #tpu.memory_space<hbm>>
    tpu.wait_indirect_dma semaphore(%arg7 : memref<!tpu.dma_semaphore, #tpu.memory_space<semaphore_mem>>) src(%dma_wait3A_6 : memref<4096x768xf32, #tpu.memory_space<hbm>>) dst(%arg6 : memref<64x768xf32, #tpu.memory_space<vmem>>)
    "tpu.region"() ({
      %run_scoped3A = tpu.sem_alloc : memref<!tpu.dma_semaphore, #tpu.memory_space<semaphore_mem>>
      %dma_start3A_7 = arith.constant 0 : i32
      %dma_start3A_8 = tpu.memref_slice %arg4[%mul3A_2, %dma_start3A_7] : memref<2048x768xf32, #tpu.memory_space<hbm>> -> memref<64x768xf32, #tpu.memory_space<hbm>>
      %dma_start3A_9 = arith.constant 0 : i32
      %dma_start3A_10 = tpu.memref_slice %arg4[%mul3A_2, %dma_start3A_9] : memref<2048x768xf32, #tpu.memory_space<hbm>> -> memref<64x768xf32, #tpu.memory_space<hbm>>
      tpu.enqueue_dma source(%arg6 : memref<64x768xf32, #tpu.memory_space<vmem>>) target(%dma_start3A_10 : memref<64x768xf32, #tpu.memory_space<hbm>>) target_semaphore(%run_scoped3A : memref<!tpu.dma_semaphore, #tpu.memory_space<semaphore_mem>>)
      %dma_wait3A_11 = arith.constant 0 : i32
      %dma_wait3A_12 = tpu.memref_slice %arg4[%mul3A_2, %dma_wait3A_11] : memref<2048x768xf32, #tpu.memory_space<hbm>> -> memref<64x768xf32, #tpu.memory_space<hbm>>
      %dma_wait3A_13 = arith.constant 0 : i32
      %dma_wait3A_14 = tpu.memref_slice %arg4[%mul3A_2, %dma_wait3A_13] : memref<2048x768xf32, #tpu.memory_space<hbm>> -> memref<64x768xf32, #tpu.memory_space<hbm>>
      tpu.wait_dma2 semaphore(%run_scoped3A : memref<!tpu.dma_semaphore, #tpu.memory_space<semaphore_mem>>) src(%arg6 : memref<64x768xf32, #tpu.memory_space<vmem>>) dst(%dma_wait3A_14 : memref<64x768xf32, #tpu.memory_space<hbm>>)
      tpu.yield
    }) : () -> ()
    return
  }
}

module attributes {stable_mosaic.version = 14 : i64} {
  func.func @tc_router(%arg0: memref<2048x768xf32, #tpu.memory_space<vmem>>, %arg1: memref<768x64xf32, #tpu.memory_space<vmem>>, %arg2: memref<1x64xf32, #tpu.memory_space<vmem>>, %arg3: memref<64x32xi32, #tpu.memory_space<vmem>>, %arg4: memref<2048x1xi32, #tpu.memory_space<vmem>>, %arg5: memref<2048x384xi32, #tpu.memory_space<vmem>>) attributes {dimension_semantics = [], scalar_prefetch = 0 : i64, scratch_operands = 0 : i64, tpu.core_type = #tpu.core_type<tc>} {
    %get3A = arith.constant 0 : index
    %get3A_0 = arith.constant 0 : index
    %get3A_1 = vector.load %arg0[%get3A, %get3A_0] : memref<2048x768xf32, #tpu.memory_space<vmem>>, vector<2048x768xf32>
    %get3A_2 = arith.constant 0 : index
    %get3A_3 = arith.constant 0 : index
    %get3A_4 = vector.load %arg1[%get3A_2, %get3A_3] : memref<768x64xf32, #tpu.memory_space<vmem>>, vector<768x64xf32>
    %convert_element_type3A = arith.truncf %get3A_1 : vector<2048x768xf32> to vector<2048x768xbf16>
    %convert_element_type3A_5 = arith.truncf %get3A_4 : vector<768x64xf32> to vector<768x64xbf16>
    %dot_general3A = arith.constant dense<0.000000e+00> : vector<2048x64xf32>
    %dot_general3A_6 = tpu.matmul %convert_element_type3A, %convert_element_type3A_5, %dot_general3A {dimension_numbers = #tpu.dot_dimension_numbers<[1], [0], [0], [1], [0, 0, 1, 1], [], []>, transpose_lhs_hint = false} : vector<2048x768xbf16>, vector<768x64xbf16>, vector<2048x64xf32> -> vector<2048x64xf32>
    %get3A_7 = arith.constant 0 : index
    %get3A_8 = arith.constant 0 : index
    %get3A_9 = vector.load %arg2[%get3A_7, %get3A_8] : memref<1x64xf32, #tpu.memory_space<vmem>>, vector<1x64xf32>
    %add3A = vector.broadcast %get3A_9 : vector<1x64xf32> to vector<2048x64xf32>
    %add3A_10 = arith.addf %dot_general3A_6, %add3A : vector<2048x64xf32>
    %reduce_max3A = arith.constant dense<0xFF800000> : vector<2048xf32>
    %reduce_max3A_11 = vector.multi_reduction <maximumf>, %add3A_10, %reduce_max3A [1] : vector<2048x64xf32> to vector<2048xf32>
    %broadcast_in_dim3A = vector.shape_cast %reduce_max3A_11 : vector<2048xf32> to vector<2048x1xf32>
    %iota3A = tpu.iota {dimensions = array<i32: 1>} : vector<2048x64xi32>
    %eq3A = vector.broadcast %broadcast_in_dim3A : vector<2048x1xf32> to vector<2048x64xf32>
    %eq3A_12 = arith.cmpf oeq, %add3A_10, %eq3A : vector<2048x64xf32>
    %jit3A = arith.constant 64 : i32
    %broadcast_in_dim3A_13 = vector.broadcast %jit3A : i32 to vector<2048x64xi32>
    %select_n3A = arith.select %eq3A_12, %iota3A, %broadcast_in_dim3A_13 : vector<2048x64xi1>, vector<2048x64xi32>
    %reduce_min3A = arith.constant dense<2147483647> : vector<2048xi32>
    %reduce_min3A_14 = vector.multi_reduction <minsi>, %select_n3A, %reduce_min3A [1] : vector<2048x64xi32> to vector<2048xi32>
    %broadcast_in_dim3A_15 = vector.shape_cast %reduce_min3A_14 : vector<2048xi32> to vector<2048x1xi32>
    %eq3A_16 = vector.broadcast %broadcast_in_dim3A_15 : vector<2048x1xi32> to vector<2048x64xi32>
    %eq3A_17 = arith.cmpi eq, %iota3A, %eq3A_16 : vector<2048x64xi32>
    %convert_element_type3A_18 = arith.extui %eq3A_17 : vector<2048x64xi1> to vector<2048x64xi32>
    %broadcast_in_dim3A_19 = arith.constant 0 : i32
    %broadcast_in_dim3A_20 = vector.broadcast %broadcast_in_dim3A_19 : i32 to vector<1x64xi32>
    %slice3A = vector.extract_strided_slice %convert_element_type3A_18 {offsets = [0, 0], sizes = [2047, 64], strides = [1, 1]} : vector<2048x64xi32> to vector<2047x64xi32>
    %concatenate3A = tpu.concatenate %broadcast_in_dim3A_20, %slice3A in 0 : vector<1x64xi32>, vector<2047x64xi32> -> vector<2048x64xi32>
    %add3A_21 = arith.addi %convert_element_type3A_18, %concatenate3A : vector<2048x64xi32>
    %broadcast_in_dim3A_22 = arith.constant 0 : i32
    %broadcast_in_dim3A_23 = vector.broadcast %broadcast_in_dim3A_22 : i32 to vector<2x64xi32>
    %slice3A_24 = vector.extract_strided_slice %add3A_21 {offsets = [0, 0], sizes = [2046, 64], strides = [1, 1]} : vector<2048x64xi32> to vector<2046x64xi32>
    %concatenate3A_25 = tpu.concatenate %broadcast_in_dim3A_23, %slice3A_24 in 0 : vector<2x64xi32>, vector<2046x64xi32> -> vector<2048x64xi32>
    %add3A_26 = arith.addi %add3A_21, %concatenate3A_25 : vector<2048x64xi32>
    %broadcast_in_dim3A_27 = arith.constant 0 : i32
    %broadcast_in_dim3A_28 = vector.broadcast %broadcast_in_dim3A_27 : i32 to vector<4x64xi32>
    %slice3A_29 = vector.extract_strided_slice %add3A_26 {offsets = [0, 0], sizes = [2044, 64], strides = [1, 1]} : vector<2048x64xi32> to vector<2044x64xi32>
    %concatenate3A_30 = tpu.concatenate %broadcast_in_dim3A_28, %slice3A_29 in 0 : vector<4x64xi32>, vector<2044x64xi32> -> vector<2048x64xi32>
    %add3A_31 = arith.addi %add3A_26, %concatenate3A_30 : vector<2048x64xi32>
    %broadcast_in_dim3A_32 = arith.constant 0 : i32
    %broadcast_in_dim3A_33 = vector.broadcast %broadcast_in_dim3A_32 : i32 to vector<8x64xi32>
    %slice3A_34 = vector.extract_strided_slice %add3A_31 {offsets = [0, 0], sizes = [2040, 64], strides = [1, 1]} : vector<2048x64xi32> to vector<2040x64xi32>
    %concatenate3A_35 = tpu.concatenate %broadcast_in_dim3A_33, %slice3A_34 in 0 : vector<8x64xi32>, vector<2040x64xi32> -> vector<2048x64xi32>
    %add3A_36 = arith.addi %add3A_31, %concatenate3A_35 : vector<2048x64xi32>
    %broadcast_in_dim3A_37 = arith.constant 0 : i32
    %broadcast_in_dim3A_38 = vector.broadcast %broadcast_in_dim3A_37 : i32 to vector<16x64xi32>
    %slice3A_39 = vector.extract_strided_slice %add3A_36 {offsets = [0, 0], sizes = [2032, 64], strides = [1, 1]} : vector<2048x64xi32> to vector<2032x64xi32>
    %concatenate3A_40 = tpu.concatenate %broadcast_in_dim3A_38, %slice3A_39 in 0 : vector<16x64xi32>, vector<2032x64xi32> -> vector<2048x64xi32>
    %add3A_41 = arith.addi %add3A_36, %concatenate3A_40 : vector<2048x64xi32>
    %broadcast_in_dim3A_42 = arith.constant 0 : i32
    %broadcast_in_dim3A_43 = vector.broadcast %broadcast_in_dim3A_42 : i32 to vector<32x64xi32>
    %slice3A_44 = vector.extract_strided_slice %add3A_41 {offsets = [0, 0], sizes = [2016, 64], strides = [1, 1]} : vector<2048x64xi32> to vector<2016x64xi32>
    %concatenate3A_45 = tpu.concatenate %broadcast_in_dim3A_43, %slice3A_44 in 0 : vector<32x64xi32>, vector<2016x64xi32> -> vector<2048x64xi32>
    %add3A_46 = arith.addi %add3A_41, %concatenate3A_45 : vector<2048x64xi32>
    %broadcast_in_dim3A_47 = arith.constant 0 : i32
    %broadcast_in_dim3A_48 = vector.broadcast %broadcast_in_dim3A_47 : i32 to vector<64x64xi32>
    %slice3A_49 = vector.extract_strided_slice %add3A_46 {offsets = [0, 0], sizes = [1984, 64], strides = [1, 1]} : vector<2048x64xi32> to vector<1984x64xi32>
    %concatenate3A_50 = tpu.concatenate %broadcast_in_dim3A_48, %slice3A_49 in 0 : vector<64x64xi32>, vector<1984x64xi32> -> vector<2048x64xi32>
    %add3A_51 = arith.addi %add3A_46, %concatenate3A_50 : vector<2048x64xi32>
    %broadcast_in_dim3A_52 = arith.constant 0 : i32
    %broadcast_in_dim3A_53 = vector.broadcast %broadcast_in_dim3A_52 : i32 to vector<128x64xi32>
    %slice3A_54 = vector.extract_strided_slice %add3A_51 {offsets = [0, 0], sizes = [1920, 64], strides = [1, 1]} : vector<2048x64xi32> to vector<1920x64xi32>
    %concatenate3A_55 = tpu.concatenate %broadcast_in_dim3A_53, %slice3A_54 in 0 : vector<128x64xi32>, vector<1920x64xi32> -> vector<2048x64xi32>
    %add3A_56 = arith.addi %add3A_51, %concatenate3A_55 : vector<2048x64xi32>
    %broadcast_in_dim3A_57 = arith.constant 0 : i32
    %broadcast_in_dim3A_58 = vector.broadcast %broadcast_in_dim3A_57 : i32 to vector<256x64xi32>
    %slice3A_59 = vector.extract_strided_slice %add3A_56 {offsets = [0, 0], sizes = [1792, 64], strides = [1, 1]} : vector<2048x64xi32> to vector<1792x64xi32>
    %concatenate3A_60 = tpu.concatenate %broadcast_in_dim3A_58, %slice3A_59 in 0 : vector<256x64xi32>, vector<1792x64xi32> -> vector<2048x64xi32>
    %add3A_61 = arith.addi %add3A_56, %concatenate3A_60 : vector<2048x64xi32>
    %broadcast_in_dim3A_62 = arith.constant 0 : i32
    %broadcast_in_dim3A_63 = vector.broadcast %broadcast_in_dim3A_62 : i32 to vector<512x64xi32>
    %slice3A_64 = vector.extract_strided_slice %add3A_61 {offsets = [0, 0], sizes = [1536, 64], strides = [1, 1]} : vector<2048x64xi32> to vector<1536x64xi32>
    %concatenate3A_65 = tpu.concatenate %broadcast_in_dim3A_63, %slice3A_64 in 0 : vector<512x64xi32>, vector<1536x64xi32> -> vector<2048x64xi32>
    %add3A_66 = arith.addi %add3A_61, %concatenate3A_65 : vector<2048x64xi32>
    %broadcast_in_dim3A_67 = arith.constant 0 : i32
    %broadcast_in_dim3A_68 = vector.broadcast %broadcast_in_dim3A_67 : i32 to vector<1024x64xi32>
    %slice3A_69 = vector.extract_strided_slice %add3A_66 {offsets = [0, 0], sizes = [1024, 64], strides = [1, 1]} : vector<2048x64xi32> to vector<1024x64xi32>
    %concatenate3A_70 = tpu.concatenate %broadcast_in_dim3A_68, %slice3A_69 in 0 : vector<1024x64xi32>, vector<1024x64xi32> -> vector<2048x64xi32>
    %add3A_71 = arith.addi %add3A_66, %concatenate3A_70 : vector<2048x64xi32>
    %mul3A = arith.muli %convert_element_type3A_18, %add3A_71 : vector<2048x64xi32>
    %reduce_sum3A = arith.constant dense<0> : vector<2048xi32>
    %reduce_sum3A_72 = vector.multi_reduction <add>, %mul3A, %reduce_sum3A [1] : vector<2048x64xi32> to vector<2048xi32>
    %broadcast_in_dim3A_73 = vector.shape_cast %reduce_sum3A_72 : vector<2048xi32> to vector<2048x1xi32>
    %sub3A = arith.constant 1 : i32
    %sub3A_74 = vector.broadcast %sub3A : i32 to vector<2048x1xi32>
    %sub3A_75 = arith.subi %broadcast_in_dim3A_73, %sub3A_74 : vector<2048x1xi32>
    %lt3A = arith.constant 32 : i32
    %lt3A_76 = vector.broadcast %lt3A : i32 to vector<2048x1xi32>
    %lt3A_77 = arith.cmpi slt, %sub3A_75, %lt3A_76 : vector<2048x1xi32>
    %convert_element_type3A_78 = arith.sitofp %convert_element_type3A_18 : vector<2048x64xi32> to vector<2048x64xf32>
    %iota3A_79 = tpu.iota {dimensions = array<i32: 1>} : vector<2048x32xi32>
    %eq3A_80 = vector.broadcast %sub3A_75 : vector<2048x1xi32> to vector<2048x32xi32>
    %eq3A_81 = arith.cmpi eq, %iota3A_79, %eq3A_80 : vector<2048x32xi32>
    %convert_element_type3A_82 = arith.extui %eq3A_81 : vector<2048x32xi1> to vector<2048x32xi32>
    %convert_element_type3A_83 = arith.sitofp %convert_element_type3A_82 : vector<2048x32xi32> to vector<2048x32xf32>
    %iota3A_84 = tpu.iota {dimensions = array<i32: 0>} : vector<2048x32xi32>
    %add3A_85 = arith.constant 1 : i32
    %add3A_86 = vector.broadcast %add3A_85 : i32 to vector<2048x32xi32>
    %add3A_87 = arith.addi %iota3A_84, %add3A_86 : vector<2048x32xi32>
    %convert_element_type3A_88 = arith.sitofp %add3A_87 : vector<2048x32xi32> to vector<2048x32xf32>
    %mul3A_89 = arith.mulf %convert_element_type3A_83, %convert_element_type3A_88 : vector<2048x32xf32>
    %dot_general3A_90 = arith.constant dense<0.000000e+00> : vector<64x32xf32>
    %dot_general3A_91 = tpu.matmul %convert_element_type3A_78, %mul3A_89, %dot_general3A_90 {dimension_numbers = #tpu.dot_dimension_numbers<[0], [0], [1], [1], [0, 1, 1, 1], [], []>, precision = #tpu.contract_precision<fp32>, transpose_lhs_hint = false} : vector<2048x64xf32>, vector<2048x32xf32>, vector<64x32xf32> -> vector<64x32xf32>
    %convert_element_type3A_92 = arith.fptosi %dot_general3A_91 : vector<64x32xf32> to vector<64x32xi32>
    %iota3A_93 = tpu.iota {dimensions = array<i32: 0>} : vector<64x32xi32>
    %mul3A_94 = arith.constant 32 : i32
    %mul3A_95 = vector.broadcast %mul3A_94 : i32 to vector<64x32xi32>
    %mul3A_96 = arith.muli %iota3A_93, %mul3A_95 : vector<64x32xi32>
    %iota3A_97 = tpu.iota {dimensions = array<i32: 1>} : vector<64x32xi32>
    %add3A_98 = arith.addi %mul3A_96, %iota3A_97 : vector<64x32xi32>
    %gt3A = arith.constant 0 : i32
    %gt3A_99 = vector.broadcast %gt3A : i32 to vector<64x32xi32>
    %gt3A_100 = arith.cmpi sgt, %convert_element_type3A_92, %gt3A_99 : vector<64x32xi32>
    %sub3A_101 = arith.constant 1 : i32
    %sub3A_102 = vector.broadcast %sub3A_101 : i32 to vector<64x32xi32>
    %sub3A_103 = arith.subi %convert_element_type3A_92, %sub3A_102 : vector<64x32xi32>
    %select_n3A_104 = arith.select %gt3A_100, %sub3A_103, %add3A_98 : vector<64x32xi1>, vector<64x32xi32>
    %swap3A = arith.constant 0 : index
    %swap3A_105 = arith.constant 0 : index
    %swap3A_106 = vector.load %arg3[%swap3A, %swap3A_105] : memref<64x32xi32, #tpu.memory_space<vmem>>, vector<64x32xi32>
    tpu.vector_store %arg3[%swap3A, %swap3A_105], %select_n3A_104 {strides = array<i32>} : memref<64x32xi32, #tpu.memory_space<vmem>>, vector<64x32xi32>,
    %iota3A_107 = tpu.iota {dimensions = array<i32: 0>} : vector<2048x1xi32>
    %mul3A_108 = arith.constant 64 : i32
    %mul3A_109 = vector.broadcast %mul3A_108 : i32 to vector<2048x1xi32>
    %mul3A_110 = arith.muli %broadcast_in_dim3A_15, %mul3A_109 : vector<2048x1xi32>
    %add3A_111 = arith.addi %mul3A_110, %sub3A_75 : vector<2048x1xi32>
    %jit3A_112 = arith.constant 32 : i32
    %div3A = vector.broadcast %jit3A_112 : i32 to vector<2048x1xi32>
    %div3A_113 = arith.divsi %iota3A_107, %div3A : vector<2048x1xi32>
    %sign3A = arith.constant 0 : i32
    %sign3A_114 = vector.broadcast %sign3A : i32 to vector<2048x1xi32>
    %sign3A_115 = arith.cmpi sgt, %iota3A_107, %sign3A_114 : vector<2048x1xi32>
    %sign3A_116 = arith.extui %sign3A_115 : vector<2048x1xi1> to vector<2048x1xi32>
    %sign3A_117 = arith.constant 0 : i32
    %sign3A_118 = vector.broadcast %sign3A_117 : i32 to vector<2048x1xi32>
    %sign3A_119 = arith.cmpi slt, %iota3A_107, %sign3A_118 : vector<2048x1xi32>
    %sign3A_120 = arith.extui %sign3A_119 : vector<2048x1xi1> to vector<2048x1xi32>
    %sign3A_121 = arith.subi %sign3A_116, %sign3A_120 : vector<2048x1xi32>
    %sign3A_122 = arith.constant 0 : i32
    %sign3A_123 = arith.cmpi sgt, %jit3A_112, %sign3A_122 : i32
    %sign3A_124 = arith.extui %sign3A_123 : i1 to i32
    %sign3A_125 = arith.constant 0 : i32
    %sign3A_126 = arith.cmpi slt, %jit3A_112, %sign3A_125 : i32
    %sign3A_127 = arith.extui %sign3A_126 : i1 to i32
    %sign3A_128 = arith.subi %sign3A_124, %sign3A_127 : i32
    %ne3A = vector.broadcast %sign3A_128 : i32 to vector<2048x1xi32>
    %ne3A_129 = arith.cmpi ne, %sign3A_121, %ne3A : vector<2048x1xi32>
    %rem3A = vector.broadcast %jit3A_112 : i32 to vector<2048x1xi32>
    %rem3A_130 = arith.remsi %iota3A_107, %rem3A : vector<2048x1xi32>
    %ne3A_131 = arith.constant 0 : i32
    %ne3A_132 = vector.broadcast %ne3A_131 : i32 to vector<2048x1xi32>
    %ne3A_133 = arith.cmpi ne, %rem3A_130, %ne3A_132 : vector<2048x1xi32>
    %and3A = arith.andi %ne3A_129, %ne3A_133 : vector<2048x1xi1>
    %sub3A_134 = arith.constant 1 : i32
    %sub3A_135 = vector.broadcast %sub3A_134 : i32 to vector<2048x1xi32>
    %sub3A_136 = arith.subi %div3A_113, %sub3A_135 : vector<2048x1xi32>
    %select_n3A_137 = arith.select %and3A, %sub3A_136, %div3A_113 : vector<2048x1xi1>, vector<2048x1xi32>
    %mul3A_138 = arith.constant 64 : i32
    %mul3A_139 = vector.broadcast %mul3A_138 : i32 to vector<2048x1xi32>
    %mul3A_140 = arith.muli %select_n3A_137, %mul3A_139 : vector<2048x1xi32>
    %add3A_141 = arith.constant 32 : i32
    %add3A_142 = vector.broadcast %add3A_141 : i32 to vector<2048x1xi32>
    %add3A_143 = arith.addi %mul3A_140, %add3A_142 : vector<2048x1xi32>
    %jit3A_144 = arith.constant 32 : i32
    %eq3A_145 = arith.constant 0 : i32
    %eq3A_146 = arith.cmpi eq, %jit3A_144, %eq3A_145 : i32
    %jit3A_147 = arith.constant 1 : i32
    %select_n3A_148 = arith.select %eq3A_146, %jit3A_147, %jit3A_144 : i32
    %rem3A_149 = vector.broadcast %select_n3A_148 : i32 to vector<2048x1xi32>
    %rem3A_150 = arith.remsi %iota3A_107, %rem3A_149 : vector<2048x1xi32>
    %ne3A_151 = arith.constant 0 : i32
    %ne3A_152 = vector.broadcast %ne3A_151 : i32 to vector<2048x1xi32>
    %ne3A_153 = arith.cmpi ne, %rem3A_150, %ne3A_152 : vector<2048x1xi32>
    %lt3A_154 = arith.constant 0 : i32
    %lt3A_155 = vector.broadcast %lt3A_154 : i32 to vector<2048x1xi32>
    %lt3A_156 = arith.cmpi slt, %rem3A_150, %lt3A_155 : vector<2048x1xi32>
    %lt3A_157 = arith.constant 0 : i32
    %lt3A_158 = arith.cmpi slt, %select_n3A_148, %lt3A_157 : i32
    %ne3A_159 = vector.broadcast %lt3A_158 : i1 to vector<2048x1xi1>
    %ne3A_160 = vector.broadcast %ne3A_159 : vector<2048x1xi1> to vector<2048x1xi1>
    %ne3A_161 = arith.xori %lt3A_156, %ne3A_160 : vector<2048x1xi1>
    %and3A_162 = arith.andi %ne3A_161, %ne3A_153 : vector<2048x1xi1>
    %add3A_163 = vector.broadcast %select_n3A_148 : i32 to vector<2048x1xi32>
    %add3A_164 = arith.addi %rem3A_150, %add3A_163 : vector<2048x1xi32>
    %select_n3A_165 = arith.select %and3A_162, %add3A_164, %rem3A_150 : vector<2048x1xi1>, vector<2048x1xi32>
    %add3A_166 = arith.addi %add3A_143, %select_n3A_165 : vector<2048x1xi32>
    %select_n3A_167 = arith.select %lt3A_77, %add3A_111, %add3A_166 : vector<2048x1xi1>, vector<2048x1xi32>
    %swap3A_168 = arith.constant 0 : index
    %swap3A_169 = arith.constant 0 : index
    %swap3A_170 = vector.load %arg4[%swap3A_168, %swap3A_169] : memref<2048x1xi32, #tpu.memory_space<vmem>>, vector<2048x1xi32>
    tpu.vector_store %arg4[%swap3A_168, %swap3A_169], %select_n3A_167 {strides = array<i32>} : memref<2048x1xi32, #tpu.memory_space<vmem>>, vector<2048x1xi32>,
    %bitcast_convert_type3A = tpu.bitcast %get3A_1 : vector<2048x768xf32> -> vector<2048x768xi32>
    %add3A_171 = arith.constant 32767 : i32
    %add3A_172 = vector.broadcast %add3A_171 : i32 to vector<2048x768xi32>
    %add3A_173 = arith.addi %bitcast_convert_type3A, %add3A_172 : vector<2048x768xi32>
    %shift_right_arithmetic3A = arith.constant 16 : i32
    %shift_right_arithmetic3A_174 = vector.broadcast %shift_right_arithmetic3A : i32 to vector<2048x768xi32>
    %shift_right_arithmetic3A_175 = arith.shrsi %bitcast_convert_type3A, %shift_right_arithmetic3A_174 : vector<2048x768xi32>
    %and3A_176 = arith.constant 1 : i32
    %and3A_177 = vector.broadcast %and3A_176 : i32 to vector<2048x768xi32>
    %and3A_178 = arith.andi %shift_right_arithmetic3A_175, %and3A_177 : vector<2048x768xi32>
    %add3A_179 = arith.addi %add3A_173, %and3A_178 : vector<2048x768xi32>
    %shift_right_arithmetic3A_180 = arith.constant 16 : i32
    %shift_right_arithmetic3A_181 = vector.broadcast %shift_right_arithmetic3A_180 : i32 to vector<2048x768xi32>
    %shift_right_arithmetic3A_182 = arith.shrsi %add3A_179, %shift_right_arithmetic3A_181 : vector<2048x768xi32>
    %slice3A_183 = vector.extract_strided_slice %shift_right_arithmetic3A_182 {offsets = [0, 0], sizes = [2048, 384], strides = [1, 1]} : vector<2048x768xi32> to vector<2048x384xi32>
    %and3A_184 = arith.constant 65535 : i32
    %and3A_185 = vector.broadcast %and3A_184 : i32 to vector<2048x384xi32>
    %and3A_186 = arith.andi %slice3A_183, %and3A_185 : vector<2048x384xi32>
    %slice3A_187 = vector.extract_strided_slice %shift_right_arithmetic3A_182 {offsets = [0, 384], sizes = [2048, 384], strides = [1, 1]} : vector<2048x768xi32> to vector<2048x384xi32>
    %shift_left3A = arith.constant 16 : i32
    %shift_left3A_188 = vector.broadcast %shift_left3A : i32 to vector<2048x384xi32>
    %shift_left3A_189 = arith.shli %slice3A_187, %shift_left3A_188 : vector<2048x384xi32>
    %or3A = arith.ori %shift_left3A_189, %and3A_186 : vector<2048x384xi32>
    %swap3A_190 = arith.constant 0 : index
    %swap3A_191 = arith.constant 0 : index
    %swap3A_192 = vector.load %arg5[%swap3A_190, %swap3A_191] : memref<2048x384xi32, #tpu.memory_space<vmem>>, vector<2048x384xi32>
    tpu.vector_store %arg5[%swap3A_190, %swap3A_191], %or3A {strides = array<i32>} : memref<2048x384xi32, #tpu.memory_space<vmem>>, vector<2048x384xi32>,
    return
  }
}

module attributes {stable_mosaic.version = 14 : i64} {
  func.func @tc_expert_ffn(%arg0: i32, %arg1: i32, %arg2: memref<32x384xi32, #tpu.memory_space<vmem>>, %arg3: memref<1x768x1536xf32, #tpu.memory_space<vmem>>, %arg4: memref<1x1x1536xf32, #tpu.memory_space<vmem>>, %arg5: memref<1x1536x768xf32, #tpu.memory_space<vmem>>, %arg6: memref<1x1x768xf32, #tpu.memory_space<vmem>>, %arg7: memref<32x768xf32, #tpu.memory_space<vmem>>, %arg8: memref<64x768xf32, #tpu.memory_space<vmem>>) attributes {dimension_semantics = [#tpu.dimension_semantics<arbitrary>, #tpu.dimension_semantics<arbitrary>], iteration_bounds = array<i64: 64, 2>, scalar_prefetch = 0 : i64, scratch_operands = 0 : i64, tpu.core_type = #tpu.core_type<tc>, window_params = [{transform_indices = @transform_0, window_bounds = array<i64: 32, 384>}, {transform_indices = @transform_1, window_bounds = array<i64: 1, 768, 1536>}, {transform_indices = @transform_2, window_bounds = array<i64: 1, 1, 1536>}, {transform_indices = @transform_3, window_bounds = array<i64: 1, 1536, 768>}, {transform_indices = @transform_4, window_bounds = array<i64: 1, 1, 768>}, {transform_indices = @transform_5, window_bounds = array<i64: 32, 768>}, {transform_indices = @transform_6, window_bounds = array<i64: 64, 768>}]} {
    %get3A = arith.constant 0 : index
    %get3A_0 = arith.constant 0 : index
    %get3A_1 = vector.load %arg2[%get3A, %get3A_0] : memref<32x384xi32, #tpu.memory_space<vmem>>, vector<32x384xi32>
    %shift_left3A = arith.constant 16 : i32
    %shift_left3A_2 = vector.broadcast %shift_left3A : i32 to vector<32x384xi32>
    %shift_left3A_3 = arith.shli %get3A_1, %shift_left3A_2 : vector<32x384xi32>
    %bitcast_convert_type3A = tpu.bitcast %shift_left3A_3 : vector<32x384xi32> -> vector<32x384xf32>
    %convert_element_type3A = arith.truncf %bitcast_convert_type3A : vector<32x384xf32> to vector<32x384xbf16>
    %and3A = arith.constant -65536 : i32
    %and3A_4 = vector.broadcast %and3A : i32 to vector<32x384xi32>
    %and3A_5 = arith.andi %get3A_1, %and3A_4 : vector<32x384xi32>
    %bitcast_convert_type3A_6 = tpu.bitcast %and3A_5 : vector<32x384xi32> -> vector<32x384xf32>
    %convert_element_type3A_7 = arith.truncf %bitcast_convert_type3A_6 : vector<32x384xf32> to vector<32x384xbf16>
    %get3A_8 = arith.constant 0 : index
    %get3A_9 = arith.constant 0 : index
    %get3A_10 = arith.constant 0 : index
    %get3A_11 = vector.load %arg3[%get3A_8, %get3A_9, %get3A_10] : memref<1x768x1536xf32, #tpu.memory_space<vmem>>, vector<1x768x1536xf32>
    %get3A_12 = vector.shape_cast %get3A_11 : vector<1x768x1536xf32> to vector<768x1536xf32>
    %convert_element_type3A_13 = arith.truncf %get3A_12 : vector<768x1536xf32> to vector<768x1536xbf16>
    %slice3A = vector.extract_strided_slice %convert_element_type3A_13 {offsets = [0, 0], sizes = [384, 1536], strides = [1, 1]} : vector<768x1536xbf16> to vector<384x1536xbf16>
    %dot_general3A = arith.constant dense<0.000000e+00> : vector<32x1536xf32>
    %dot_general3A_14 = tpu.matmul %convert_element_type3A, %slice3A, %dot_general3A {dimension_numbers = #tpu.dot_dimension_numbers<[1], [0], [0], [1], [0, 0, 1, 1], [], []>, transpose_lhs_hint = false} : vector<32x384xbf16>, vector<384x1536xbf16>, vector<32x1536xf32> -> vector<32x1536xf32>
    %slice3A_15 = vector.extract_strided_slice %convert_element_type3A_13 {offsets = [384, 0], sizes = [384, 1536], strides = [1, 1]} : vector<768x1536xbf16> to vector<384x1536xbf16>
    %dot_general3A_16 = arith.constant dense<0.000000e+00> : vector<32x1536xf32>
    %dot_general3A_17 = tpu.matmul %convert_element_type3A_7, %slice3A_15, %dot_general3A_16 {dimension_numbers = #tpu.dot_dimension_numbers<[1], [0], [0], [1], [0, 0, 1, 1], [], []>, transpose_lhs_hint = false} : vector<32x384xbf16>, vector<384x1536xbf16>, vector<32x1536xf32> -> vector<32x1536xf32>
    %add3A = arith.addf %dot_general3A_14, %dot_general3A_17 : vector<32x1536xf32>
    %get3A_18 = arith.constant 0 : index
    %get3A_19 = arith.constant 0 : index
    %get3A_20 = arith.constant 0 : index
    %get3A_21 = vector.load %arg4[%get3A_18, %get3A_19, %get3A_20] : memref<1x1x1536xf32, #tpu.memory_space<vmem>>, vector<1x1x1536xf32>
    %get3A_22 = vector.shape_cast %get3A_21 : vector<1x1x1536xf32> to vector<1x1536xf32>
    %add3A_23 = vector.broadcast %get3A_22 : vector<1x1536xf32> to vector<32x1536xf32>
    %add3A_24 = arith.addf %add3A, %add3A_23 : vector<32x1536xf32>
    %mul3A = arith.constant 5.000000e-01 : f32
    %mul3A_25 = vector.broadcast %mul3A : f32 to vector<32x1536xf32>
    %mul3A_26 = arith.mulf %add3A_24, %mul3A_25 : vector<32x1536xf32>
    %div3A = arith.constant 1.414210e+00 : f32
    %div3A_27 = vector.broadcast %div3A : f32 to vector<32x1536xf32>
    %div3A_28 = arith.divf %add3A_24, %div3A_27 : vector<32x1536xf32>
    %erf3A = math.erf %div3A_28 : vector<32x1536xf32>
    %add3A_29 = arith.constant 1.000000e+00 : f32
    %add3A_30 = vector.broadcast %add3A_29 : f32 to vector<32x1536xf32>
    %add3A_31 = arith.addf %add3A_30, %erf3A : vector<32x1536xf32>
    %mul3A_32 = arith.mulf %mul3A_26, %add3A_31 : vector<32x1536xf32>
    %get3A_33 = arith.constant 0 : index
    %get3A_34 = arith.constant 0 : index
    %get3A_35 = arith.constant 0 : index
    %get3A_36 = vector.load %arg5[%get3A_33, %get3A_34, %get3A_35] : memref<1x1536x768xf32, #tpu.memory_space<vmem>>, vector<1x1536x768xf32>
    %get3A_37 = vector.shape_cast %get3A_36 : vector<1x1536x768xf32> to vector<1536x768xf32>
    %convert_element_type3A_38 = arith.truncf %get3A_37 : vector<1536x768xf32> to vector<1536x768xbf16>
    %convert_element_type3A_39 = arith.truncf %mul3A_32 : vector<32x1536xf32> to vector<32x1536xbf16>
    %dot_general3A_40 = arith.constant dense<0.000000e+00> : vector<32x768xf32>
    %dot_general3A_41 = tpu.matmul %convert_element_type3A_39, %convert_element_type3A_38, %dot_general3A_40 {dimension_numbers = #tpu.dot_dimension_numbers<[1], [0], [0], [1], [0, 0, 1, 1], [], []>, transpose_lhs_hint = false} : vector<32x1536xbf16>, vector<1536x768xbf16>, vector<32x768xf32> -> vector<32x768xf32>
    %eq3A = arith.constant 0 : i32
    %eq3A_42 = arith.cmpi eq, %arg1, %eq3A : i32
    %convert_element_type3A_43 = arith.extui %eq3A_42 : i1 to i32
    %cond3A = arith.constant 0 : i32
    %cond3A_44 = arith.cmpi ne, %convert_element_type3A_43, %cond3A : i32
    scf.if %cond3A_44 {
      %get3A_50 = arith.constant 0 : index
      %get3A_51 = arith.constant 0 : index
      %get3A_52 = arith.constant 0 : index
      %get3A_53 = vector.load %arg6[%get3A_50, %get3A_51, %get3A_52] : memref<1x1x768xf32, #tpu.memory_space<vmem>>, vector<1x1x768xf32>
      %get3A_54 = vector.shape_cast %get3A_53 : vector<1x1x768xf32> to vector<1x768xf32>
      %add3A_55 = vector.broadcast %get3A_54 : vector<1x768xf32> to vector<32x768xf32>
      %add3A_56 = arith.addf %dot_general3A_41, %add3A_55 : vector<32x768xf32>
      %swap3A = arith.constant 0 : index
      %swap3A_57 = arith.constant 0 : index
      %swap3A_58 = vector.load %arg8[%swap3A, %swap3A_57] : memref<64x768xf32, #tpu.memory_space<vmem>>, vector<32x768xf32>
      tpu.vector_store %arg8[%swap3A, %swap3A_57], %add3A_56 {strides = array<i32>} : memref<64x768xf32, #tpu.memory_space<vmem>>, vector<32x768xf32>,
      %get3A_59 = arith.constant 0 : index
      %get3A_60 = arith.constant 0 : index
      %get3A_61 = vector.load %arg7[%get3A_59, %get3A_60] : memref<32x768xf32, #tpu.memory_space<vmem>>, vector<32x768xf32>
      %swap3A_62 = arith.constant 32 : index
      %swap3A_63 = arith.constant 0 : index
      %swap3A_64 = vector.load %arg8[%swap3A_62, %swap3A_63] : memref<64x768xf32, #tpu.memory_space<vmem>>, vector<32x768xf32>
      tpu.vector_store %arg8[%swap3A_62, %swap3A_63], %get3A_61 {strides = array<i32>} : memref<64x768xf32, #tpu.memory_space<vmem>>, vector<32x768xf32>,
    } else {
    }
    %eq3A_45 = arith.constant 1 : i32
    %eq3A_46 = arith.cmpi eq, %arg1, %eq3A_45 : i32
    %convert_element_type3A_47 = arith.extui %eq3A_46 : i1 to i32
    %cond3A_48 = arith.constant 0 : i32
    %cond3A_49 = arith.cmpi ne, %convert_element_type3A_47, %cond3A_48 : i32
    scf.if %cond3A_49 {
      %get3A_50 = arith.constant 0 : index
      %get3A_51 = arith.constant 0 : index
      %get3A_52 = vector.load %arg8[%get3A_50, %get3A_51] : memref<64x768xf32, #tpu.memory_space<vmem>>, vector<32x768xf32>
      %add3A_53 = arith.addf %get3A_52, %dot_general3A_41 : vector<32x768xf32>
      %swap3A = arith.constant 0 : index
      %swap3A_54 = arith.constant 0 : index
      %swap3A_55 = vector.load %arg8[%swap3A, %swap3A_54] : memref<64x768xf32, #tpu.memory_space<vmem>>, vector<32x768xf32>
      tpu.vector_store %arg8[%swap3A, %swap3A_54], %add3A_53 {strides = array<i32>} : memref<64x768xf32, #tpu.memory_space<vmem>>, vector<32x768xf32>,
    } else {
    }
    return
  }
  func.func @transform_0(%arg0: i32, %arg1: i32) -> (i32, i32) {
    %c0_i32 = arith.constant 0 : i32
    %c0_i32_0 = arith.constant 0 : i32
    return %arg0, %c0_i32 : i32, i32
  }
  func.func @transform_1(%arg0: i32, %arg1: i32) -> (i32, i32, i32) {
    %c0_i32 = arith.constant 0 : i32
    %c0_i32_0 = arith.constant 0 : i32
    return %arg0, %c0_i32, %arg1 : i32, i32, i32
  }
  func.func @transform_2(%arg0: i32, %arg1: i32) -> (i32, i32, i32) {
    %c0_i32 = arith.constant 0 : i32
    %c0_i32_0 = arith.constant 0 : i32
    return %arg0, %c0_i32, %arg1 : i32, i32, i32
  }
  func.func @transform_3(%arg0: i32, %arg1: i32) -> (i32, i32, i32) {
    %c0_i32 = arith.constant 0 : i32
    %c0_i32_0 = arith.constant 0 : i32
    return %arg0, %arg1, %c0_i32 : i32, i32, i32
  }
  func.func @transform_4(%arg0: i32, %arg1: i32) -> (i32, i32, i32) {
    %c0_i32 = arith.constant 0 : i32
    %c0_i32_0 = arith.constant 0 : i32
    %c0_i32_1 = arith.constant 0 : i32
    return %arg0, %c0_i32, %c0_i32_0 : i32, i32, i32
  }
  func.func @transform_5(%arg0: i32, %arg1: i32) -> (i32, i32) {
    %c0_i32 = arith.constant 0 : i32
    %c0_i32_0 = arith.constant 0 : i32
    return %arg0, %c0_i32 : i32, i32
  }
  func.func @transform_6(%arg0: i32, %arg1: i32) -> (i32, i32) {
    %c0_i32 = arith.constant 0 : i32
    %c0_i32_0 = arith.constant 0 : i32
    return %arg0, %c0_i32 : i32, i32
  }
}

</mosaic_0001>

<sc_bundles>
// kernel: sc_combine.3.cloned.1.call-start
scs
__scs_entry_jumppad:
0x0: {  	(pc) =	sbr.rel $0x88, $3  }
0x1: {  	(tag) =	ssettag $0x0;
	lr =	simm.s32 $0x1  }
0x2: {  	[smem:$0x3F9A] =	sst lr;
	_ =	strace $0xD0000000  }
0x3: {  	_ = 	snop  }
0x4: {  	_ = 	snop  }
0x5: {  	_ = 	snop  }
0x6: {  	_ = 	snop  }
0x7: {  	_ = 	snop  }
__scs_overlays_trampoline_lowered:
0x8: {  	[smem:$0x3FA9] =	sst s0  }
0x9: {  	[smem:$0x3FAA] =	sst s1  }
0xa: {  	[smem:$0x3FAB] =	sst s2  }
0xb: {  	[smem:$0x3FAC] =	sst s3  }
0xc: {  	[smem:$0x3FAD] =	sst s4  }
0xd: {  	[smem:$0x3FAE] =	sst s5  }
0xe: {  	[smem:$0x3FAF] =	sst s6  }
0xf: {  	[smem:$0x3FB0] =	sst s7  }
0x10: {  	[smem:$0x3FB1] =	sst s8  }
0x11: {  	[smem:$0x3FB2] =	sst s9;
	s0 =	simm.s32 @!p0 $0x0  }
0x12: {  	s1 =	sld [smem:$0x3F98];
	s0 =	simm.s32 @p0 $0x1  }
0x13: {  	[smem:$0x3FB3] =	sst s0;
	s0 =	simm.s32 @!p1 $0x0  }
0x14: {  	s2 =	sld [smem:$0x3F97];
	s0 =	simm.s32 @p1 $0x1  }
0x15: {  	[smem:$0x3FB4] =	sst s0;
	s0 =	simm.s32 @!p2 $0x0  }
0x16: {  	s3 =	sld [smem:$0x3FDB];
	s0 =	simm.s32 @p2 $0x1  }
0x17: {  	s4 =	simm.s32 $0x1BF5;
	[smem:$0x3FB6] =	sst s0  }
0x18: {  	s0 =	sld [smem:$0x3F99];
	_ =	swait.ge [sflag:s4], $0x0  }
0x19: {  	s7 =	sld [smem:$0x3F9A]  }
0x1a: {  	s8 =	sadd.s32 $0xFFFFE003, lr  }
0x1b: {  	s9 =	sadd.s32 $0xFFFFFEF7, lr;
	s5 =	simm.s32 $0xFFFFFFFF;
	p2 =	slt.u32 s8, $0xFFFFF086  }
0x1c: {  	p1 =	slt.u32 s9, $0xF7A;
	s5 =	simm.s32 @!p2 $0x0  }
0x1d: {  	s5 =	simm.s32 @p1 $0x1;
	p0 =	seq.s32 s7, s2  }
0x1e: {  	s7 =	smul.u32 @!p0 $0xF7A, s2;
	p2 =	seq.s32 @!p0 s5, $0x0  }
0x1f: {  	s9 =	smul.u32 $0xF7A, s1;
	s8 =	simm.s32 @!p0 $0x1BF5;
	p2 =	por !p2, p0  }
0x20: {  	[sflag:s8] =	ssyncset.s32 @!p0 $0xFFFFF086;
	s6 =	sadd.s32 @!p0 s3, s7;
	s7 =	simm.s32 @!p0 $0x108  }
0x21: {  	s3 =	sadd.s32 s3, s9;
	s6 =	sadd.s32 @!p0 $0x88, s6;
	s7 =	simm.s32 @p2 $0x1082  }
0x22: {  	[simem:s7], [sflag:s8] =	dma.local @!p0 [hbm:s6], $0xF7A  }
0x23: {  	s9 =	sor.u32 $0xD0000000, s2;
	s6 =	simm.s32 $0x108;
	_ =	swait.ge @!p0 [sflag:s8], $0x0  }
0x24: {  	s3 =	sadd.s32 $0x88, s3;
	s6 =	simm.s32 @!p1 $0x1082;
	[sflag:s4] =	ssyncset.s32 $0xFFFFF086  }
0x25: {  	[simem:s6], [sflag:s4] =	dma.local [hbm:s3], $0xF7A  }
0x26: {  	[smem:$0x3F9A] =	sst s1;
	(tag) =	ssettag s2;
	_ =	strace s9  }
0x27: {  	s1 =	sld [smem:$0x3FAA]  }
0x28: {  	s2 =	sld [smem:$0x3FAB]  }
0x29: {  	s4 =	sld [smem:$0x3FAD]  }
0x2a: {  	p0 =	seq.s32 s5, $0x0;
	s5 =	sld [smem:$0x3FAE]  }
0x2b: {  	s6 =	sld [smem:$0x3FAF]  }
0x2c: {  	s7 =	sld [smem:$0x3FB0]  }
0x2d: {  	s3 =	simm.s32 $0x108;
	s8 =	sld [smem:$0x3FB1]  }
0x2e: {  	s3 =	simm.s32 @!p0 $0x1082;
	s9 =	sld [smem:$0x3FB2]  }
0x2f: {  	lr =	sadd.s32 s0, s3;
	s0 =	sld [smem:$0x3FA9]  }
0x30: {  	s3 =	sld [smem:$0x3FAC]  }
0x31: {  	[smem:$0x3FB5] =	sst s10  }
0x32: {  	s10 =	sld [smem:$0x3FB3];
	_ =	sdelay $0x3  }
0x33: {  	p0 =	seq.s32 s10, $0x1;
	s10 =	sld [smem:$0x3FB5];
	_ =	sdelay $0x3  }
0x34: {  	[smem:$0x3FB5] =	sst s10  }
0x35: {  	s10 =	sld [smem:$0x3FB4];
	_ =	sdelay $0x3  }
0x36: {  	p1 =	seq.s32 s10, $0x1;
	s10 =	sld [smem:$0x3FB5];
	_ =	sdelay $0x3  }
0x37: {  	[smem:$0x3FB5] =	sst s10  }
0x38: {  	s10 =	sld [smem:$0x3FB6]  }
0x39: {  	_ = 	snop;
	(pc) =	sbr.ind lr, $3  }
0x3a: {  	_ = 	snop  }
0x3b: {  	_ = 	snop  }
0x3c: {  	p2 =	seq.s32 s10, $0x1;
	s10 =	sld [smem:$0x3FB5]  }
0x3d: {  	_ =	shalt  }
0x3e: {  	_ =	shalt  }
0x3f: {  	_ =	shalt  }
0x40: {  	_ =	shalt  }
0x41: {  	_ =	shalt  }
0x42: {  	_ =	shalt  }
0x43: {  	_ =	shalt  }
0x44: {  	_ =	shalt  }
0x45: {  	_ =	shalt  }
0x46: {  	_ =	shalt  }
0x47: {  	_ =	shalt  }
0x48: {  	_ =	shalt  }
0x49: {  	_ =	shalt  }
0x4a: {  	_ =	shalt  }
0x4b: {  	_ =	shalt  }
0x4c: {  	_ =	shalt  }
0x4d: {  	_ =	shalt  }
0x4e: {  	_ =	shalt  }
0x4f: {  	_ =	shalt  }
0x50: {  	_ =	shalt  }
0x51: {  	_ =	shalt  }
0x52: {  	_ =	shalt  }
0x53: {  	_ =	shalt  }
0x54: {  	_ =	shalt  }
0x55: {  	_ =	shalt  }
0x56: {  	_ =	shalt  }
0x57: {  	_ =	shalt  }
0x58: {  	_ =	shalt  }
0x59: {  	_ =	shalt  }
0x5a: {  	_ =	shalt  }
0x5b: {  	_ =	shalt  }
0x5c: {  	_ =	shalt  }
0x5d: {  	_ =	shalt  }
0x5e: {  	_ =	shalt  }
0x5f: {  	_ =	shalt  }
0x60: {  	_ =	shalt  }
0x61: {  	_ =	shalt  }
0x62: {  	_ =	shalt  }
0x63: {  	_ =	shalt  }
0x64: {  	_ =	shalt  }
0x65: {  	_ =	shalt  }
0x66: {  	_ =	shalt  }
0x67: {  	_ =	shalt  }
0x68: {  	_ =	shalt  }
0x69: {  	_ =	shalt  }
0x6a: {  	_ =	shalt  }
0x6b: {  	_ =	shalt  }
0x6c: {  	_ =	shalt  }
0x6d: {  	_ =	shalt  }
0x6e: {  	_ =	shalt  }
0x6f: {  	_ =	shalt  }
0x70: {  	_ =	shalt  }
0x71: {  	_ =	shalt  }
0x72: {  	_ =	shalt  }
0x73: {  	_ =	shalt  }
0x74: {  	_ =	shalt  }
0x75: {  	_ =	shalt  }
0x76: {  	_ =	shalt  }
0x77: {  	_ =	shalt  }
0x78: {  	_ =	shalt  }
0x79: {  	_ =	shalt  }
0x7a: {  	_ =	shalt  }
0x7b: {  	_ =	shalt  }
0x7c: {  	_ =	shalt  }
0x7d: {  	_ =	shalt  }
0x7e: {  	_ =	shalt  }
0x7f: {  	_ =	shalt  }
0x80: {  	_ =	shalt  }
0x81: {  	_ =	shalt  }
0x82: {  	_ =	shalt  }
0x83: {  	_ =	shalt  }
0x84: {  	_ =	shalt  }
0x85: {  	_ =	shalt  }
0x86: {  	_ =	shalt  }
0x87: {  	_ =	shalt  }
.Lfunc_end0:
.L_simem_size_0:
called_computation.1_lowered:
.L_overlay_start_0:
0x88: {  	s2 =	sld [smem:$0x3FD9]  }
0x89: {  	s3 =	sld [smem:$0x3FFE];
	_ =	sdelay $0x1  }
0x8a: {  	s1 =	srdreg.scid  }
0x8b: {  	s0 =	sand.u32 $0x1, s1  }
0x8c: {  	s17 =	sshll.u32 s0, $0xA;
	s2 =	sadd.s32 s3, s2  }
0x8d: {  	s2 =	sadd.s32 s2, s17  }
0x8e: {  	[smem:$0x3FC1] =	sst s2  }
0x8f: {  	_ = 	snop  }
0x90: {  	s2 =	sld [smem:$0x3FD0];
	(tm) =	ssettm $0x1  }
0x91: {  	s18 =	sld [smem:$0x3FFB];
	_ =	sdelay $0x3  }
0x92: {  	_ =	strace s18  }
0x93: {  	s3 =	sld [smem:$0x3FFC];
	_ =	sdelay $0x3  }
0x94: {  	_ =	strace s3  }
0x95: {  	s3 =	sld [smem:$0x3FFD];
	_ =	sdelay $0x3  }
0x96: {  	_ =	strace s3  }
0x97: {  	_ =	strace $0x8FFFFFFF  }
0x98: {  	s19 =	sld [smem:$0x3FDB];
	_ =	sdelay $0x1  }
0x99: {  	s4 =	simm.s32 $_scs_section_size  }
0x9a: {  	s5 =	simm.s32 $_size__tile_overlayer_lowered;
	s6 =	simm.s32 $_tile_overlayer_lowered  }
0x9b: {  	s22 =	simm.s32 $0x1BFF;
	s21 =	sshll.u32 s6, $0x1;
	s3 =	sadd.s32 s4, s19  }
0x9c: {  	s7 =	simm.s32 $0x0;
	s20 =	sshll.u32 s5, $0x1;
	s5 =	sadd.s32 s21, s3  }
0x9d: {  	[timem:s7], [sflag:s22] =	dma.local [hbm:s5], s20  }
0x9e: {  	_ =	swait.ge [sflag:s22], s20  }
0x9f: {  	s4 =	ssub.s32 $0x0, s20;
	[sflag:s22] =	ssyncset.done $0x0  }
0xa0: {  	[sflag:s22] =	ssyncadd.s32 s4;
	_ =	sdelay $0x1  }
0xa1: {  	s23 =	simm.s32 $0x1B8B  }
0xa2: {  	_ =	swait.ge [sflag:s23], $0x1  }
0xa3: {  	[sflag:s23] =	ssyncset.done $0x0  }
0xa4: {  	s25 =	simm.s32 $0x1B8E;
	s24 =	sld [smem:$0x3FFE];
	[sflag:s23] =	ssyncadd.s32 $0xFFFFFFFF  }
0xa5: {  	s26 =	simm.s32 $execute0_lowered;
	[smem:$0x3FD2] =	sst s25  }
0xa6: {  	s5 =	sshll.u32 s26, $0x1;
	_ =	strace $0x80000049;
	[dreg:$0x1] =	wrdreg $0xFFFFFFFF  }
0xa7: {  	s28 =	simm.s32 $_size_execute0_lowered;
	s3 =	sadd.s32 s3, s5;
	[dreg:$0x0] =	wrdreg $0x0  }
0xa8: {  	s5 =	sshll.u32 s28, $0x1;
	[dreg:$0x2] =	wrdreg s3  }
0xa9: {  	[dreg:$0x3] =	wrdreg s5  }
0xaa: {  	[dreg:$0x4] =	wrdreg $0xC0  }
0xab: {  	_ =	task [dreg:s7], $0x5FFFF  }
0xac: {  	[dreg:$0x1] =	wrdreg $0xFFFFFFFF  }
0xad: {  	[dreg:$0x0] =	wrdreg $0x60  }
0xae: {  	[dreg:$0x2] =	wrdreg s24  }
0xaf: {  	[dreg:$0x3] =	wrdreg s2  }
0xb0: {  	[dreg:$0x4] =	wrdreg $0x9  }
0xb1: {  	_ =	task.clear_ibuf [dreg:s7], $0x5FFFF;
	_ =	strace $0x90000049  }
0xb2: {  	s29 =	simm.s32 $0x9;
	_ =	strace $0x8000004B  }
0xb3: {  	_ =	swait.ge [sflag:s29], $0x1  }
0xb4: {  	[sflag:s29] =	ssyncadd.s32 $0xFFFFFFFF  }
0xb5: {  	_ =	strace $0x9000004B  }
0xb6: {  	_ =	sfence  }
0xb7: {  	s30 =	sld [smem:$0x0];
	_ =	sdelay $0x2  }
0xb8: {  	s31 =	sshll.u32 s1, $0xD;
	s1 =	sshrl.u32 s1, $0x2  }
0xb9: {  	s3 =	sand.u32 $0x4000, s31;
	s1 =	sadd.s32 s1, s30  }
0xba: {  	s0 =	sor.u32 s3, s0;
	s1 =	sshll.u32 s1, $0x11  }
0xbb: {  	s0 =	sor.u32 s1, s0  }
0xbc: {  	s0 =	sadd.s32 $0x8F2B, s0  }
0xbd: {  	[sflag:s0] =	ssyncadd.remote.s32 $0x1  }
0xbe: {  	_ =	sfence.sel $0xFFFF  }
0xbf: {  	[dreg:$0x0] =	wrdreg $0xFFFFFFFF;
	(pc) =	sbr.abs _section_cstart, $3  }
0xc0: {  	[dreg:$0x1] =	wrdreg $0xFFFFFFFF  }
0xc1: {  	_ =	task.clear_ibuf [dreg:s7], $0x2FFFF;
	_ =	strace $0x9FFFFFFF  }
0xc2: {  	(tm) =	ssettm $0x7FFFFFFF  }
0xc3: {  	_ =	shalt  }
tec
execute0_lowered:
.L_overlay_start_1:
0x0: {  	(tag) =	ssettag $0x1  }
0x1: {  	s0 =	rddreg [dreg:$0x0]  }
0x2: {  	s5 =	rddreg [dreg:$0x1];
	s3 =	srdreg.scid  }
0x3: {  	s2 =	simm.s32 $0x0;
	s1 =	stileid.u32;
	s26 =	simm.s32 $0x880  }
0x4: {  	s10 =	simm.s32 $0x1880;
	s11 =	simm.s32 $0x2080;
	s12 =	simm.s32 $0x2880  }
0x5: {  	s13 =	simm.s32 $0x3080;
	s14 =	simm.s32 $0x3880;
	s15 =	simm.s32 $0x4080  }
0x6: {  	s16 =	simm.s32 $0x4880;
	s17 =	simm.s32 $0x5080;
	s18 =	simm.s32 $0x5880  }
0x7: {  	s19 =	simm.s32 $0x6080;
	s20 =	simm.s32 $0x6880;
	s21 =	simm.s32 $0x7080  }
0x8: {  	s22 =	simm.s32 $0x7880;
	s28 =	simm.s32 $0xA080;
	s29 =	simm.s32 $0xA880  }
0x9: {  	s30 =	simm.s32 $0xB080;
	s31 =	simm.s32 $0xB880;
	s3 =	sand.u32 $0x1, s3  }
0xa: {  	[smem:$0x7FF] =	sst s2;
	s4 =	sshll.u32 s1, $0x4;
	s6 =	sshll.u32 s3, $0x3  }
0xb: {  	_ =	strace $0x8000004A;
	s23 =	ssub.s32 $0x2, s3;
	s3 =	sadd.s32 $0x1A000, s0  }
0xc: {  	[dreg:$0x5] =	wrdreg s26;
	s26 =	simm.s32 $0x9880;
	s4 =	sor.u32 s6, s4  }
0xd: {  	s8 =	sshrl.u32 s23, $0x1;
	s7 =	sadd.s32 s4, s0;
	s9 =	smul.u32 $0x300, s4  }
0xe: {  	s6 =	ssub.s32 s23, s8;
	s4 =	sadd.s32 $0x1A100, s0;
	s8 =	simm.s32 $0x80  }
0xf: {  	s23 =	simm.s32 $0x8080;
	s24 =	sadd.s32 $0x19E00, s7;
	s6 =	smax.u32 s6, $0x1  }
0x10: {  	v2 =	vlaneseq.u32;
	s7 =	simm.s32 $0x2;
	[dreg:$0x3] =	wrdreg s24;
	s25 =	sadd.s32 s5, s9  }
0x11: {  	vm0 =	vmmov $0xffff;
	v1 =	vshrl.u32 v2, $0x3;
	s5 =	sadd.s32 $0x1A200, s0;
	s9 =	simm.s32 $0x1080;
	s24 =	simm.s32 $0x8880  }
0x12: {  	v0 =	vand.u32 $0x7, v2;
	v2 =	vor.u32 $0x8, v2;
	v1 =	vmul.u32 $0x8, v1;
	s0 =	simm.s32 $0x1;
	[dreg:$0x4] =	wrdreg s25;
	s25 =	simm.s32 $0x9080  }
.LBB2_1:
0x13: {  	s1 =	rddreg [dreg:$0x3]  }
0x14: {  	[tilespmem:s2], [sflag:$0x2] =	stream.linear.gather [hbm4b:s1+s2], $0x40, $0x38;
	[tilespmem:$0xC080] =	vst v63  }
0x15: {  	_ =	swait.ge [sflag:s7], $0x40  }
0x16: {  	[sflag:s7] =	ssyncset.done $0x0  }
0x17: {  	[sflag:s7] =	ssyncadd.s32 $0xFFFFFFC0  }
0x18: {  	v3 =	vld [tilespmem:$0x0];
	_ =	sdelay $0x4  }
0x19: {  	v4 =	vshrl.u32 v3, $0x3  }
0x1a: {  	v4 =	vmul.u32 $0x30, v4  }
0x1b: {  	v3 =	vand.u32 $0x7, v3  }
0x1c: {  	v3 =	vor.u32 v3, v4  }
0x1d: {  	v4 =	vperm.xlane v3, v0;
	_ =	sdelay $0x1  }
0x1e: {  	v4 =	vadd.s32 v1, v4;
	_ =	sdelay $0x3  }
0x1f: {  	v3 =	vperm.xlane v3, v2  }
0x20: {  	[tilespmem:s8], [sflag:$0x1] =	stream.indirect_vreg.gather [hbm4b:s3+s2], $0x80, v4, vm0, $0xb8;
	[tilespmem:$0xC080] =	vst v63  }
0x21: {  	s1 =	rddreg [dreg:$0x5];
	v3 =	vadd.s32 v1, v3  }
0x22: {  	[tilespmem:s1], [sflag:$0x1] =	stream.indirect_vreg.gather [hbm4b:s4+s2], $0x80, v4, vm0, $0xb8;
	[tilespmem:$0xC080] =	vst v63  }
0x23: {  	_ = 	snop  }
0x24: {  	[tilespmem:s9], [sflag:$0x1] =	stream.indirect_vreg.gather [hbm4b:s5+s2], $0x80, v4, vm0, $0xb8;
	[tilespmem:$0xC080] =	vst v63  }
0x25: {  	_ = 	snop  }
0x26: {  	[tilespmem:s10], [sflag:$0x1] =	stream.indirect_vreg.gather [hbm4b:s3+s2], $0x80, v3, vm0, $0xb8;
	[tilespmem:$0xC080] =	vst v63  }
0x27: {  	_ = 	snop  }
0x28: {  	[tilespmem:s11], [sflag:$0x1] =	stream.indirect_vreg.gather [hbm4b:s4+s2], $0x80, v3, vm0, $0xb8;
	[tilespmem:$0xC080] =	vst v63  }
0x29: {  	_ = 	snop  }
0x2a: {  	[tilespmem:s12], [sflag:$0x1] =	stream.indirect_vreg.gather [hbm4b:s5+s2], $0x80, v3, vm0, $0xb8;
	[tilespmem:$0xC080] =	vst v63  }
0x2b: {  	v3 =	vld [tilespmem:$0x10];
	_ =	sdelay $0x4  }
0x2c: {  	v61 =	vshrl.u32 v3, $0x3  }
0x2d: {  	v4 =	vmul.u32 $0x30, v61  }
0x2e: {  	v3 =	vand.u32 $0x7, v3  }
0x2f: {  	v3 =	vor.u32 v3, v4  }
0x30: {  	v4 =	vperm.xlane v3, v0;
	_ =	sdelay $0x1  }
0x31: {  	v4 =	vadd.s32 v1, v4;
	_ =	sdelay $0x3  }
0x32: {  	v3 =	vperm.xlane v3, v2  }
0x33: {  	[tilespmem:s13], [sflag:$0x1] =	stream.indirect_vreg.gather [hbm4b:s3+s2], $0x80, v4, vm0, $0xb8;
	[tilespmem:$0xC080] =	vst v63  }
0x34: {  	v3 =	vadd.s32 v1, v3  }
0x35: {  	[tilespmem:s14], [sflag:$0x1] =	stream.indirect_vreg.gather [hbm4b:s4+s2], $0x80, v4, vm0, $0xb8;
	[tilespmem:$0xC080] =	vst v63  }
0x36: {  	_ = 	snop  }
0x37: {  	[tilespmem:s15], [sflag:$0x1] =	stream.indirect_vreg.gather [hbm4b:s5+s2], $0x80, v4, vm0, $0xb8;
	[tilespmem:$0xC080] =	vst v63  }
0x38: {  	_ = 	snop  }
0x39: {  	[tilespmem:s16], [sflag:$0x1] =	stream.indirect_vreg.gather [hbm4b:s3+s2], $0x80, v3, vm0, $0xb8;
	[tilespmem:$0xC080] =	vst v63  }
0x3a: {  	_ = 	snop  }
0x3b: {  	[tilespmem:s17], [sflag:$0x1] =	stream.indirect_vreg.gather [hbm4b:s4+s2], $0x80, v3, vm0, $0xb8;
	[tilespmem:$0xC080] =	vst v63  }
0x3c: {  	_ = 	snop  }
0x3d: {  	[tilespmem:s18], [sflag:$0x1] =	stream.indirect_vreg.gather [hbm4b:s5+s2], $0x80, v3, vm0, $0xb8;
	[tilespmem:$0xC080] =	vst v63  }
0x3e: {  	v3 =	vld [tilespmem:$0x20];
	_ =	sdelay $0x4  }
0x3f: {  	v62 =	vshrl.u32 v3, $0x3  }
0x40: {  	v4 =	vmul.u32 $0x30, v62  }
0x41: {  	v3 =	vand.u32 $0x7, v3  }
0x42: {  	v3 =	vor.u32 v3, v4  }
0x43: {  	v4 =	vperm.xlane v3, v0;
	_ =	sdelay $0x1  }
0x44: {  	v4 =	vadd.s32 v1, v4;
	_ =	sdelay $0x3  }
0x45: {  	v3 =	vperm.xlane v3, v2  }
0x46: {  	[tilespmem:s19], [sflag:$0x1] =	stream.indirect_vreg.gather [hbm4b:s3+s2], $0x80, v4, vm0, $0xb8;
	[tilespmem:$0xC080] =	vst v63  }
0x47: {  	v3 =	vadd.s32 v1, v3  }
0x48: {  	[tilespmem:s20], [sflag:$0x1] =	stream.indirect_vreg.gather [hbm4b:s4+s2], $0x80, v4, vm0, $0xb8;
	[tilespmem:$0xC080] =	vst v63  }
0x49: {  	_ = 	snop  }
0x4a: {  	[tilespmem:s21], [sflag:$0x1] =	stream.indirect_vreg.gather [hbm4b:s5+s2], $0x80, v4, vm0, $0xb8;
	[tilespmem:$0xC080] =	vst v63  }
0x4b: {  	_ = 	snop  }
0x4c: {  	[tilespmem:s22], [sflag:$0x1] =	stream.indirect_vreg.gather [hbm4b:s3+s2], $0x80, v3, vm0, $0xb8;
	[tilespmem:$0xC080] =	vst v63  }
0x4d: {  	_ = 	snop  }
0x4e: {  	[tilespmem:s23], [sflag:$0x1] =	stream.indirect_vreg.gather [hbm4b:s4+s2], $0x80, v3, vm0, $0xb8;
	[tilespmem:$0xC080] =	vst v63  }
0x4f: {  	_ = 	snop  }
0x50: {  	[tilespmem:s24], [sflag:$0x1] =	stream.indirect_vreg.gather [hbm4b:s5+s2], $0x80, v3, vm0, $0xb8;
	[tilespmem:$0xC080] =	vst v63  }
0x51: {  	v3 =	vld [tilespmem:$0x30];
	_ =	sdelay $0x4  }
0x52: {  	v63 =	vshrl.u32 v3, $0x3  }
0x53: {  	v4 =	vmul.u32 $0x30, v63  }
0x54: {  	v3 =	vand.u32 $0x7, v3  }
0x55: {  	v3 =	vor.u32 v3, v4  }
0x56: {  	v4 =	vperm.xlane v3, v0;
	_ =	sdelay $0x1  }
0x57: {  	v4 =	vadd.s32 v1, v4;
	_ =	sdelay $0x3  }
0x58: {  	v3 =	vperm.xlane v3, v2  }
0x59: {  	[tilespmem:s25], [sflag:$0x1] =	stream.indirect_vreg.gather [hbm4b:s3+s2], $0x80, v4, vm0, $0xb8;
	[tilespmem:$0xC080] =	vst v63  }
0x5a: {  	v3 =	vadd.s32 v1, v3  }
0x5b: {  	[tilespmem:s26], [sflag:$0x1] =	stream.indirect_vreg.gather [hbm4b:s4+s2], $0x80, v4, vm0, $0xb8;
	[tilespmem:$0xC080] =	vst v63  }
0x5c: {  	_ = 	snop  }
0x5d: {  	[tilespmem:s28], [sflag:$0x1] =	stream.indirect_vreg.gather [hbm4b:s5+s2], $0x80, v4, vm0, $0xb8;
	[tilespmem:$0xC080] =	vst v63  }
0x5e: {  	_ = 	snop  }
0x5f: {  	[tilespmem:s29], [sflag:$0x1] =	stream.indirect_vreg.gather [hbm4b:s3+s2], $0x80, v3, vm0, $0xb8;
	[tilespmem:$0xC080] =	vst v63  }
0x60: {  	_ = 	snop  }
0x61: {  	[tilespmem:s30], [sflag:$0x1] =	stream.indirect_vreg.gather [hbm4b:s4+s2], $0x80, v3, vm0, $0xb8;
	[tilespmem:$0xC080] =	vst v63  }
0x62: {  	_ = 	snop  }
0x63: {  	[tilespmem:s31], [sflag:$0x1] =	stream.indirect_vreg.gather [hbm4b:s5+s2], $0x80, v3, vm0, $0xb8;
	[tilespmem:$0xC080] =	vst v63  }
0x64: {  	_ =	swait.ge [sflag:s0], $0xC000  }
0x65: {  	p0 =	sne.s32 s6, $0x1;
	[sflag:s0] =	ssyncset.done $0x0  }
.Ltmp0:
0x66: {  	s1 =	rddreg [dreg:$0x4];
	[sflag:s0] =	ssyncadd.s32 $0xFFFF4000;
	(pc) =	sbr.rel @p0 .LBB2_1-.Ltmp0, $4  }
0x67: {  	[hbm4b:s1+s2] =	stream.linear.scatter [tilespmem:s8], [sflag:$0x2], $0xC000, $0x38;
	[tilespmem:$0xC080] =	vst v63  }
0x68: {  	_ =	swait.ge [sflag:s7], $0xC000  }
0x69: {  	[sflag:s7] =	ssyncset.done $0x0  }
0x6a: {  	s6 =	sadd.s32 $0xFFFFFFFF, s6;
	[sflag:s7] =	ssyncadd.s32 $0xFFFF4000  }
0x6b: {  	_ =	sfence.sel $0x180000  }
0x6c: {  	[bflag:$0x0] =	sbarrier.arrive $0xFFFF  }
0x6d: {  	_ =	strace $0x9000004A  }
0x6e: {  	s0 =	stileid.u32;
	[bflag:$0x2] =	sbarrier.arrive $0xFFFF  }
0x6f: {  	p0 =	sne.s32 s0, $0x0;
	s0 =	rddreg [dreg:$0x2]  }
0x70: {  	s0 =	sadd.s32 @!p0 $0x100000, s0  }
0x71: {  	[sflag:s0] =	ssyncadd.tile.s32 @!p0 $0x1;
	_ =	shalt  }
.Lfunc_end2:
_tile_overlayer_lowered:
.L_overlay_start_2:
0x72: {  	(tag) =	ssettag $0x2  }
0x73: {  	s0 =	rddreg [dreg:$0x0];
	s2 =	stileid.u32  }
0x74: {  	s1 =	rddreg [dreg:$0x1];
	p0 =	sne.s32 s2, $0x0  }
0x75: {  	s3 =	rddreg [dreg:$0x2];
	[bflag:$0x3] =	sbarrier.arrive $0xFFFF;
	s2 =	simm.s32 @!p0 $0x1C02  }
0x76: {  	[timem:s3], [sflag:s2] =	dma.local @!p0 [hbm:s0], s1  }
0x77: {  	s0 =	simm.s32 @!p0 $0x2  }
0x78: {  	_ =	swait.ge @!p0 [sflag:s0], s1  }
0x79: {  	s1 =	ssub.s32 @!p0 $0x0, s1;
	[sflag:s0] =	ssyncset.done @!p0 $0x0  }
0x7a: {  	[sflag:s0] =	ssyncadd.s32 @!p0 s1  }
0x7b: {  	[bflag:$0x3] =	sbarrier.arrive $0xFFFF  }
0x7c: {  	_ =	shalt  }

// kernel: sc_dispatch.3.cloned.1.call-start
scs
__scs_entry_jumppad:
0x0: {  	(pc) =	sbr.rel $0x88, $3  }
0x1: {  	(tag) =	ssettag $0x0;
	lr =	simm.s32 $0x1  }
0x2: {  	[smem:$0x3F9A] =	sst lr;
	_ =	strace $0xD0000000  }
0x3: {  	_ = 	snop  }
0x4: {  	_ = 	snop  }
0x5: {  	_ = 	snop  }
0x6: {  	_ = 	snop  }
0x7: {  	_ = 	snop  }
__scs_overlays_trampoline_lowered:
0x8: {  	[smem:$0x3FA9] =	sst s0  }
0x9: {  	[smem:$0x3FAA] =	sst s1  }
0xa: {  	[smem:$0x3FAB] =	sst s2  }
0xb: {  	[smem:$0x3FAC] =	sst s3  }
0xc: {  	[smem:$0x3FAD] =	sst s4  }
0xd: {  	[smem:$0x3FAE] =	sst s5  }
0xe: {  	[smem:$0x3FAF] =	sst s6  }
0xf: {  	[smem:$0x3FB0] =	sst s7  }
0x10: {  	[smem:$0x3FB1] =	sst s8  }
0x11: {  	[smem:$0x3FB2] =	sst s9;
	s0 =	simm.s32 @!p0 $0x0  }
0x12: {  	s1 =	sld [smem:$0x3F98];
	s0 =	simm.s32 @p0 $0x1  }
0x13: {  	[smem:$0x3FB3] =	sst s0;
	s0 =	simm.s32 @!p1 $0x0  }
0x14: {  	s2 =	sld [smem:$0x3F97];
	s0 =	simm.s32 @p1 $0x1  }
0x15: {  	[smem:$0x3FB4] =	sst s0;
	s0 =	simm.s32 @!p2 $0x0  }
0x16: {  	s3 =	sld [smem:$0x3FDB];
	s0 =	simm.s32 @p2 $0x1  }
0x17: {  	s4 =	simm.s32 $0x1BF5;
	[smem:$0x3FB6] =	sst s0  }
0x18: {  	s0 =	sld [smem:$0x3F99];
	_ =	swait.ge [sflag:s4], $0x0  }
0x19: {  	s7 =	sld [smem:$0x3F9A]  }
0x1a: {  	s8 =	sadd.s32 $0xFFFFE003, lr  }
0x1b: {  	s9 =	sadd.s32 $0xFFFFFEF7, lr;
	s5 =	simm.s32 $0xFFFFFFFF;
	p2 =	slt.u32 s8, $0xFFFFF086  }
0x1c: {  	p1 =	slt.u32 s9, $0xF7A;
	s5 =	simm.s32 @!p2 $0x0  }
0x1d: {  	s5 =	simm.s32 @p1 $0x1;
	p0 =	seq.s32 s7, s2  }
0x1e: {  	s7 =	smul.u32 @!p0 $0xF7A, s2;
	p2 =	seq.s32 @!p0 s5, $0x0  }
0x1f: {  	s9 =	smul.u32 $0xF7A, s1;
	s8 =	simm.s32 @!p0 $0x1BF5;
	p2 =	por !p2, p0  }
0x20: {  	[sflag:s8] =	ssyncset.s32 @!p0 $0xFFFFF086;
	s6 =	sadd.s32 @!p0 s3, s7;
	s7 =	simm.s32 @!p0 $0x108  }
0x21: {  	s3 =	sadd.s32 s3, s9;
	s6 =	sadd.s32 @!p0 $0x88, s6;
	s7 =	simm.s32 @p2 $0x1082  }
0x22: {  	[simem:s7], [sflag:s8] =	dma.local @!p0 [hbm:s6], $0xF7A  }
0x23: {  	s9 =	sor.u32 $0xD0000000, s2;
	s6 =	simm.s32 $0x108;
	_ =	swait.ge @!p0 [sflag:s8], $0x0  }
0x24: {  	s3 =	sadd.s32 $0x88, s3;
	s6 =	simm.s32 @!p1 $0x1082;
	[sflag:s4] =	ssyncset.s32 $0xFFFFF086  }
0x25: {  	[simem:s6], [sflag:s4] =	dma.local [hbm:s3], $0xF7A  }
0x26: {  	[smem:$0x3F9A] =	sst s1;
	(tag) =	ssettag s2;
	_ =	strace s9  }
0x27: {  	s1 =	sld [smem:$0x3FAA]  }
0x28: {  	s2 =	sld [smem:$0x3FAB]  }
0x29: {  	s4 =	sld [smem:$0x3FAD]  }
0x2a: {  	p0 =	seq.s32 s5, $0x0;
	s5 =	sld [smem:$0x3FAE]  }
0x2b: {  	s6 =	sld [smem:$0x3FAF]  }
0x2c: {  	s7 =	sld [smem:$0x3FB0]  }
0x2d: {  	s3 =	simm.s32 $0x108;
	s8 =	sld [smem:$0x3FB1]  }
0x2e: {  	s3 =	simm.s32 @!p0 $0x1082;
	s9 =	sld [smem:$0x3FB2]  }
0x2f: {  	lr =	sadd.s32 s0, s3;
	s0 =	sld [smem:$0x3FA9]  }
0x30: {  	s3 =	sld [smem:$0x3FAC]  }
0x31: {  	[smem:$0x3FB5] =	sst s10  }
0x32: {  	s10 =	sld [smem:$0x3FB3];
	_ =	sdelay $0x3  }
0x33: {  	p0 =	seq.s32 s10, $0x1;
	s10 =	sld [smem:$0x3FB5];
	_ =	sdelay $0x3  }
0x34: {  	[smem:$0x3FB5] =	sst s10  }
0x35: {  	s10 =	sld [smem:$0x3FB4];
	_ =	sdelay $0x3  }
0x36: {  	p1 =	seq.s32 s10, $0x1;
	s10 =	sld [smem:$0x3FB5];
	_ =	sdelay $0x3  }
0x37: {  	[smem:$0x3FB5] =	sst s10  }
0x38: {  	s10 =	sld [smem:$0x3FB6]  }
0x39: {  	_ = 	snop;
	(pc) =	sbr.ind lr, $3  }
0x3a: {  	_ = 	snop  }
0x3b: {  	_ = 	snop  }
0x3c: {  	p2 =	seq.s32 s10, $0x1;
	s10 =	sld [smem:$0x3FB5]  }
0x3d: {  	_ =	shalt  }
0x3e: {  	_ =	shalt  }
0x3f: {  	_ =	shalt  }
0x40: {  	_ =	shalt  }
0x41: {  	_ =	shalt  }
0x42: {  	_ =	shalt  }
0x43: {  	_ =	shalt  }
0x44: {  	_ =	shalt  }
0x45: {  	_ =	shalt  }
0x46: {  	_ =	shalt  }
0x47: {  	_ =	shalt  }
0x48: {  	_ =	shalt  }
0x49: {  	_ =	shalt  }
0x4a: {  	_ =	shalt  }
0x4b: {  	_ =	shalt  }
0x4c: {  	_ =	shalt  }
0x4d: {  	_ =	shalt  }
0x4e: {  	_ =	shalt  }
0x4f: {  	_ =	shalt  }
0x50: {  	_ =	shalt  }
0x51: {  	_ =	shalt  }
0x52: {  	_ =	shalt  }
0x53: {  	_ =	shalt  }
0x54: {  	_ =	shalt  }
0x55: {  	_ =	shalt  }
0x56: {  	_ =	shalt  }
0x57: {  	_ =	shalt  }
0x58: {  	_ =	shalt  }
0x59: {  	_ =	shalt  }
0x5a: {  	_ =	shalt  }
0x5b: {  	_ =	shalt  }
0x5c: {  	_ =	shalt  }
0x5d: {  	_ =	shalt  }
0x5e: {  	_ =	shalt  }
0x5f: {  	_ =	shalt  }
0x60: {  	_ =	shalt  }
0x61: {  	_ =	shalt  }
0x62: {  	_ =	shalt  }
0x63: {  	_ =	shalt  }
0x64: {  	_ =	shalt  }
0x65: {  	_ =	shalt  }
0x66: {  	_ =	shalt  }
0x67: {  	_ =	shalt  }
0x68: {  	_ =	shalt  }
0x69: {  	_ =	shalt  }
0x6a: {  	_ =	shalt  }
0x6b: {  	_ =	shalt  }
0x6c: {  	_ =	shalt  }
0x6d: {  	_ =	shalt  }
0x6e: {  	_ =	shalt  }
0x6f: {  	_ =	shalt  }
0x70: {  	_ =	shalt  }
0x71: {  	_ =	shalt  }
0x72: {  	_ =	shalt  }
0x73: {  	_ =	shalt  }
0x74: {  	_ =	shalt  }
0x75: {  	_ =	shalt  }
0x76: {  	_ =	shalt  }
0x77: {  	_ =	shalt  }
0x78: {  	_ =	shalt  }
0x79: {  	_ =	shalt  }
0x7a: {  	_ =	shalt  }
0x7b: {  	_ =	shalt  }
0x7c: {  	_ =	shalt  }
0x7d: {  	_ =	shalt  }
0x7e: {  	_ =	shalt  }
0x7f: {  	_ =	shalt  }
0x80: {  	_ =	shalt  }
0x81: {  	_ =	shalt  }
0x82: {  	_ =	shalt  }
0x83: {  	_ =	shalt  }
0x84: {  	_ =	shalt  }
0x85: {  	_ =	shalt  }
0x86: {  	_ =	shalt  }
0x87: {  	_ =	shalt  }
.Lfunc_end0:
.L_simem_size_0:
called_computation_lowered:
.L_overlay_start_0:
0x88: {  	s2 =	sld [smem:$0x3FD9]  }
0x89: {  	s3 =	sld [smem:$0x3FFE];
	_ =	sdelay $0x1  }
0x8a: {  	s1 =	srdreg.scid  }
0x8b: {  	s0 =	sand.u32 $0x1, s1  }
0x8c: {  	s17 =	sshll.u32 s0, $0xA;
	s2 =	sadd.s32 s3, s2  }
0x8d: {  	s2 =	sadd.s32 s2, s17  }
0x8e: {  	[smem:$0x3FC1] =	sst s2  }
0x8f: {  	_ = 	snop  }
0x90: {  	s2 =	sld [smem:$0x3FD0];
	(tm) =	ssettm $0x1  }
0x91: {  	s18 =	sld [smem:$0x3FFB];
	_ =	sdelay $0x3  }
0x92: {  	_ =	strace s18  }
0x93: {  	s3 =	sld [smem:$0x3FFC];
	_ =	sdelay $0x3  }
0x94: {  	_ =	strace s3  }
0x95: {  	s3 =	sld [smem:$0x3FFD];
	_ =	sdelay $0x3  }
0x96: {  	_ =	strace s3  }
0x97: {  	_ =	strace $0x8FFFFFFF  }
0x98: {  	s19 =	sld [smem:$0x3FDB];
	_ =	sdelay $0x1  }
0x99: {  	s4 =	simm.s32 $_scs_section_size  }
0x9a: {  	s5 =	simm.s32 $_size__tile_overlayer_lowered;
	s6 =	simm.s32 $_tile_overlayer_lowered  }
0x9b: {  	s22 =	simm.s32 $0x1BFF;
	s21 =	sshll.u32 s6, $0x1;
	s3 =	sadd.s32 s4, s19  }
0x9c: {  	s7 =	simm.s32 $0x0;
	s20 =	sshll.u32 s5, $0x1;
	s5 =	sadd.s32 s21, s3  }
0x9d: {  	[timem:s7], [sflag:s22] =	dma.local [hbm:s5], s20  }
0x9e: {  	_ =	swait.ge [sflag:s22], s20  }
0x9f: {  	s4 =	ssub.s32 $0x0, s20;
	[sflag:s22] =	ssyncset.done $0x0  }
0xa0: {  	[sflag:s22] =	ssyncadd.s32 s4;
	_ =	sdelay $0x1  }
0xa1: {  	s23 =	simm.s32 $0x1B8B  }
0xa2: {  	_ =	swait.ge [sflag:s23], $0x1  }
0xa3: {  	[sflag:s23] =	ssyncset.done $0x0  }
0xa4: {  	s25 =	simm.s32 $0x1B8E;
	s24 =	sld [smem:$0x3FFE];
	[sflag:s23] =	ssyncadd.s32 $0xFFFFFFFF  }
0xa5: {  	s26 =	simm.s32 $execute0_lowered;
	[smem:$0x3FD2] =	sst s25  }
0xa6: {  	s5 =	sshll.u32 s26, $0x1;
	_ =	strace $0x80000046;
	[dreg:$0x1] =	wrdreg $0xFFFFFFFF  }
0xa7: {  	s28 =	simm.s32 $_size_execute0_lowered;
	s3 =	sadd.s32 s3, s5;
	[dreg:$0x0] =	wrdreg $0x0  }
0xa8: {  	s5 =	sshll.u32 s28, $0x1;
	[dreg:$0x2] =	wrdreg s3  }
0xa9: {  	[dreg:$0x3] =	wrdreg s5  }
0xaa: {  	[dreg:$0x4] =	wrdreg $0xC0  }
0xab: {  	_ =	task [dreg:s7], $0x5FFFF  }
0xac: {  	[dreg:$0x1] =	wrdreg $0xFFFFFFFF  }
0xad: {  	[dreg:$0x0] =	wrdreg $0x60  }
0xae: {  	[dreg:$0x2] =	wrdreg s2  }
0xaf: {  	[dreg:$0x3] =	wrdreg s24  }
0xb0: {  	[dreg:$0x4] =	wrdreg $0x9  }
0xb1: {  	_ =	task.clear_ibuf [dreg:s7], $0x5FFFF;
	_ =	strace $0x90000046  }
0xb2: {  	s29 =	simm.s32 $0x9;
	_ =	strace $0x80000048  }
0xb3: {  	_ =	swait.ge [sflag:s29], $0x1  }
0xb4: {  	[sflag:s29] =	ssyncadd.s32 $0xFFFFFFFF  }
0xb5: {  	_ =	strace $0x90000048  }
0xb6: {  	_ =	sfence  }
0xb7: {  	s30 =	sld [smem:$0x0];
	_ =	sdelay $0x2  }
0xb8: {  	s31 =	sshll.u32 s1, $0xD;
	s1 =	sshrl.u32 s1, $0x2  }
0xb9: {  	s3 =	sand.u32 $0x4000, s31;
	s1 =	sadd.s32 s1, s30  }
0xba: {  	s0 =	sor.u32 s3, s0;
	s1 =	sshll.u32 s1, $0x11  }
0xbb: {  	s0 =	sor.u32 s1, s0  }
0xbc: {  	s0 =	sadd.s32 $0x8F2B, s0  }
0xbd: {  	[sflag:s0] =	ssyncadd.remote.s32 $0x1  }
0xbe: {  	_ =	sfence.sel $0xFFFF  }
0xbf: {  	[dreg:$0x0] =	wrdreg $0xFFFFFFFF;
	(pc) =	sbr.abs _section_cstart, $3  }
0xc0: {  	[dreg:$0x1] =	wrdreg $0xFFFFFFFF  }
0xc1: {  	_ =	task.clear_ibuf [dreg:s7], $0x2FFFF;
	_ =	strace $0x9FFFFFFF  }
0xc2: {  	(tm) =	ssettm $0x7FFFFFFF  }
0xc3: {  	_ =	shalt  }
tec
execute0_lowered:
.L_overlay_start_1:
0x0: {  	(tag) =	ssettag $0x1  }
0x1: {  	s1 =	srdreg.scid;
	s2 =	rddreg [dreg:$0x0]  }
0x2: {  	s0 =	stileid.u32;
	s5 =	rddreg [dreg:$0x1]  }
0x3: {  	s3 =	simm.s32 $0x0;
	s9 =	simm.s32 $0x80;
	s10 =	simm.s32 $0x880  }
0x4: {  	s11 =	simm.s32 $0xC80;
	s12 =	simm.s32 $0x1480;
	s13 =	simm.s32 $0x1880  }
0x5: {  	s14 =	simm.s32 $0x2080;
	s15 =	simm.s32 $0x2480;
	s16 =	simm.s32 $0x2C80  }
0x6: {  	s17 =	simm.s32 $0x3080;
	s18 =	simm.s32 $0x3880;
	s19 =	simm.s32 $0x3C80  }
0x7: {  	s20 =	simm.s32 $0x4480;
	s21 =	simm.s32 $0x4880;
	s22 =	simm.s32 $0x5080  }
0x8: {  	s23 =	simm.s32 $0x5480;
	s24 =	simm.s32 $0x5C80;
	s4 =	sand.u32 $0x1, s1  }
0x9: {  	s25 =	simm.s32 $0x1;
	s6 =	sshll.u32 s0, $0x4;
	s7 =	sshll.u32 s4, $0x3  }
0xa: {  	s1 =	rddreg [dreg:$0x2];
	s4 =	ssub.s32 $0x2, s4;
	s6 =	sor.u32 s7, s6  }
0xb: {  	[smem:$0x7FF] =	sst s3;
	s8 =	sshrl.u32 s4, $0x1;
	s7 =	smul.u32 $0x180, s6  }
0xc: {  	v2 =	vlaneseq.u32;
	_ =	strace $0x80000047;
	s6 =	sadd.s32 s6, s5;
	s8 =	ssub.s32 s4, s8  }
0xd: {  	vm0 =	vmmov $0xffff;
	vm1 =	vmmov $0xff;
	v1 =	vshrl.u32 v2, $0x3;
	s4 =	sadd.s32 $0x1C00, s6;
	s7 =	sadd.s32 s7, s5;
	s5 =	sadd.s32 $0x100, s2  }
0xe: {  	v0 =	vand.u32 $0x7, v2;
	v2 =	vor.u32 $0x8, v2;
	v1 =	vmul.u32 $0x8, v1;
	s6 =	sadd.s32 $0x1E00, s7;
	s7 =	smax.u32 s8, $0x1;
	s8 =	simm.s32 $0x2  }
.LBB2_1:
0xf: {  	[tilespmem:s3], [sflag:$0x2] =	stream.linear.gather [hbm4b:s4+s3], $0x40, $0x38;
	[tilespmem:$0x6080] =	vst v63  }
0x10: {  	_ =	swait.ge [sflag:s8], $0x40  }
0x11: {  	[sflag:s8] =	ssyncset.done $0x0  }
0x12: {  	[sflag:s8] =	ssyncadd.s32 $0xFFFFFFC0  }
0x13: {  	v3 =	vld [tilespmem:$0x0];
	_ =	sdelay $0x4  }
0x14: {  	v4 =	vshrl.u32 v3, $0x3  }
0x15: {  	v4 =	vmul.u32 $0x18, v4  }
0x16: {  	v3 =	vand.u32 $0x7, v3  }
0x17: {  	v3 =	vor.u32 v3, v4  }
0x18: {  	v4 =	vperm.xlane v3, v0;
	_ =	sdelay $0x1  }
0x19: {  	v4 =	vadd.s32 v1, v4;
	_ =	sdelay $0x1  }
0x1a: {  	v3 =	vperm.xlane v3, v2;
	_ =	sdelay $0x1  }
0x1b: {  	v3 =	vadd.s32 v1, v3  }
0x1c: {  	[tilespmem:s9], [sflag:$0x1] =	stream.indirect_vreg.gather [hbm4b:s2+s3], $0x80, v4, vm0, $0xb8;
	[tilespmem:$0x6080] =	vst v63  }
0x1d: {  	_ = 	snop  }
0x1e: {  	[tilespmem:s10], [sflag:$0x1] =	stream.indirect_vreg.gather [hbm4b:s5+s3], $0x80, v4, vm1, $0xb8;
	[tilespmem:$0x6080] =	vst v63  }
0x1f: {  	_ = 	snop  }
0x20: {  	[tilespmem:s11], [sflag:$0x1] =	stream.indirect_vreg.gather [hbm4b:s2+s3], $0x80, v3, vm0, $0xb8;
	[tilespmem:$0x6080] =	vst v63  }
0x21: {  	_ = 	snop  }
0x22: {  	[tilespmem:s12], [sflag:$0x1] =	stream.indirect_vreg.gather [hbm4b:s5+s3], $0x80, v3, vm1, $0xb8;
	[tilespmem:$0x6080] =	vst v63  }
0x23: {  	v3 =	vld [tilespmem:$0x10];
	_ =	sdelay $0x4  }
0x24: {  	v61 =	vshrl.u32 v3, $0x3  }
0x25: {  	v4 =	vmul.u32 $0x18, v61  }
0x26: {  	v3 =	vand.u32 $0x7, v3  }
0x27: {  	v3 =	vor.u32 v3, v4  }
0x28: {  	v4 =	vperm.xlane v3, v0;
	_ =	sdelay $0x1  }
0x29: {  	v4 =	vadd.s32 v1, v4;
	_ =	sdelay $0x1  }
0x2a: {  	v3 =	vperm.xlane v3, v2;
	_ =	sdelay $0x1  }
0x2b: {  	v3 =	vadd.s32 v1, v3  }
0x2c: {  	[tilespmem:s13], [sflag:$0x1] =	stream.indirect_vreg.gather [hbm4b:s2+s3], $0x80, v4, vm0, $0xb8;
	[tilespmem:$0x6080] =	vst v63  }
0x2d: {  	_ = 	snop  }
0x2e: {  	[tilespmem:s14], [sflag:$0x1] =	stream.indirect_vreg.gather [hbm4b:s5+s3], $0x80, v4, vm1, $0xb8;
	[tilespmem:$0x6080] =	vst v63  }
0x2f: {  	_ = 	snop  }
0x30: {  	[tilespmem:s15], [sflag:$0x1] =	stream.indirect_vreg.gather [hbm4b:s2+s3], $0x80, v3, vm0, $0xb8;
	[tilespmem:$0x6080] =	vst v63  }
0x31: {  	_ = 	snop  }
0x32: {  	[tilespmem:s16], [sflag:$0x1] =	stream.indirect_vreg.gather [hbm4b:s5+s3], $0x80, v3, vm1, $0xb8;
	[tilespmem:$0x6080] =	vst v63  }
0x33: {  	v3 =	vld [tilespmem:$0x20];
	_ =	sdelay $0x4  }
0x34: {  	v62 =	vshrl.u32 v3, $0x3  }
0x35: {  	v4 =	vmul.u32 $0x18, v62  }
0x36: {  	v3 =	vand.u32 $0x7, v3  }
0x37: {  	v3 =	vor.u32 v3, v4  }
0x38: {  	v4 =	vperm.xlane v3, v0;
	_ =	sdelay $0x1  }
0x39: {  	v4 =	vadd.s32 v1, v4;
	_ =	sdelay $0x1  }
0x3a: {  	v3 =	vperm.xlane v3, v2;
	_ =	sdelay $0x1  }
0x3b: {  	v3 =	vadd.s32 v1, v3  }
0x3c: {  	[tilespmem:s17], [sflag:$0x1] =	stream.indirect_vreg.gather [hbm4b:s2+s3], $0x80, v4, vm0, $0xb8;
	[tilespmem:$0x6080] =	vst v63  }
0x3d: {  	_ = 	snop  }
0x3e: {  	[tilespmem:s18], [sflag:$0x1] =	stream.indirect_vreg.gather [hbm4b:s5+s3], $0x80, v4, vm1, $0xb8;
	[tilespmem:$0x6080] =	vst v63  }
0x3f: {  	_ = 	snop  }
0x40: {  	[tilespmem:s19], [sflag:$0x1] =	stream.indirect_vreg.gather [hbm4b:s2+s3], $0x80, v3, vm0, $0xb8;
	[tilespmem:$0x6080] =	vst v63  }
0x41: {  	_ = 	snop  }
0x42: {  	[tilespmem:s20], [sflag:$0x1] =	stream.indirect_vreg.gather [hbm4b:s5+s3], $0x80, v3, vm1, $0xb8;
	[tilespmem:$0x6080] =	vst v63  }
0x43: {  	v3 =	vld [tilespmem:$0x30];
	_ =	sdelay $0x4  }
0x44: {  	v63 =	vshrl.u32 v3, $0x3  }
0x45: {  	v4 =	vmul.u32 $0x18, v63  }
0x46: {  	v3 =	vand.u32 $0x7, v3  }
0x47: {  	v3 =	vor.u32 v3, v4  }
0x48: {  	v4 =	vperm.xlane v3, v0;
	_ =	sdelay $0x1  }
0x49: {  	v4 =	vadd.s32 v1, v4;
	_ =	sdelay $0x1  }
0x4a: {  	v3 =	vperm.xlane v3, v2;
	_ =	sdelay $0x1  }
0x4b: {  	v3 =	vadd.s32 v1, v3  }
0x4c: {  	[tilespmem:s21], [sflag:$0x1] =	stream.indirect_vreg.gather [hbm4b:s2+s3], $0x80, v4, vm0, $0xb8;
	[tilespmem:$0x6080] =	vst v63  }
0x4d: {  	_ = 	snop  }
0x4e: {  	[tilespmem:s22], [sflag:$0x1] =	stream.indirect_vreg.gather [hbm4b:s5+s3], $0x80, v4, vm1, $0xb8;
	[tilespmem:$0x6080] =	vst v63  }
0x4f: {  	_ = 	snop  }
0x50: {  	[tilespmem:s23], [sflag:$0x1] =	stream.indirect_vreg.gather [hbm4b:s2+s3], $0x80, v3, vm0, $0xb8;
	[tilespmem:$0x6080] =	vst v63  }
0x51: {  	_ = 	snop  }
0x52: {  	[tilespmem:s24], [sflag:$0x1] =	stream.indirect_vreg.gather [hbm4b:s5+s3], $0x80, v3, vm1, $0xb8;
	[tilespmem:$0x6080] =	vst v63  }
0x53: {  	_ =	swait.ge [sflag:s25], $0x6000  }
0x54: {  	p0 =	sne.s32 s7, $0x1;
	[sflag:s25] =	ssyncset.done $0x0  }
.Ltmp0:
0x55: {  	[sflag:s25] =	ssyncadd.s32 $0xFFFFA000;
	(pc) =	sbr.rel @p0 .LBB2_1-.Ltmp0, $4  }
0x56: {  	[hbm4b:s6+s3] =	stream.linear.scatter [tilespmem:s9], [sflag:$0x2], $0x6000, $0x38;
	[tilespmem:$0x6080] =	vst v63  }
0x57: {  	_ =	swait.ge [sflag:s8], $0x6000  }
0x58: {  	[sflag:s8] =	ssyncset.done $0x0  }
0x59: {  	s7 =	sadd.s32 $0xFFFFFFFF, s7;
	[sflag:s8] =	ssyncadd.s32 $0xFFFFA000  }
0x5a: {  	_ =	sfence.sel $0x180000  }
0x5b: {  	[bflag:$0x0] =	sbarrier.arrive $0xFFFF  }
0x5c: {  	p0 =	sne.s32 s0, $0x0;
	_ =	strace $0x90000047  }
0x5d: {  	s0 =	sadd.s32 @!p0 $0x100000, s1;
	[bflag:$0x2] =	sbarrier.arrive $0xFFFF  }
0x5e: {  	[sflag:s0] =	ssyncadd.tile.s32 @!p0 $0x1;
	_ =	shalt  }
.Lfunc_end2:
_tile_overlayer_lowered:
.L_overlay_start_2:
0x5f: {  	(tag) =	ssettag $0x2  }
0x60: {  	s0 =	rddreg [dreg:$0x0];
	s2 =	stileid.u32  }
0x61: {  	s1 =	rddreg [dreg:$0x1];
	p0 =	sne.s32 s2, $0x0  }
0x62: {  	s3 =	rddreg [dreg:$0x2];
	[bflag:$0x3] =	sbarrier.arrive $0xFFFF;
	s2 =	simm.s32 @!p0 $0x1C02  }
0x63: {  	[timem:s3], [sflag:s2] =	dma.local @!p0 [hbm:s0], s1  }
0x64: {  	s0 =	simm.s32 @!p0 $0x2  }
0x65: {  	_ =	swait.ge @!p0 [sflag:s0], s1  }
0x66: {  	s1 =	ssub.s32 @!p0 $0x0, s1;
	[sflag:s0] =	ssyncset.done @!p0 $0x0  }
0x67: {  	[sflag:s0] =	ssyncadd.s32 @!p0 s1  }
0x68: {  	[bflag:$0x3] =	sbarrier.arrive $0xFFFF  }
0x69: {  	_ =	shalt  }

</sc_bundles>
